<compile_context>
chip_gen: v7x
topology: tpu7x:2x2x1
jax: 0.10.2.dev20260603
libtpu: 0.0.44.dev20260713+nightly
codegen_flags: <defaults>
</compile_context>

<pallas_src>
import functools
import math

import jax
import jax.numpy as jnp
from jax import lax
from jax.experimental import pallas as pl
from jax.experimental.pallas import tpu as pltpu
from jax.experimental.pallas import tpu_sc as plsc



def _make_histogram(s1, hkv, ns, s2):
    nw = 32
    chunk = 8
    q_per_w = s1 // nw
    n_chunks = q_per_w // chunk
    acc_sz = hkv * chunk * s2
    idx_sz = q_per_w * hkv * ns
    vec_per_chunk = (chunk * hkv * ns) // 16
    vecs_per_h = ns // 16
    vecs_per_s = hkv * vecs_per_h
    mesh = plsc.VectorSubcoreMesh(core_axis_name="c", subcore_axis_name="s")

    @functools.partial(
        pl.kernel,
        mesh=mesh,
        out_type=jax.ShapeDtypeStruct((hkv * s1 * s2,), jnp.float32),
        scratch_types=[
            pltpu.VMEM((idx_sz,), jnp.int32),
            pltpu.VMEM((acc_sz,), jnp.float32),
            pltpu.VMEM((acc_sz,), jnp.float32),
            pltpu.SemaphoreType.DMA,
            pltpu.SemaphoreType.DMA,
        ],
        compiler_params=pltpu.CompilerParams(needs_layout_passes=False),
    )
    def hist(idx_hbm, out_hbm, idx_v, acc0, acc1, sem0, sem1):
        wid = lax.axis_index("s") * 2 + lax.axis_index("c")
        q0 = wid * q_per_w
        pltpu.sync_copy(idx_hbm.at[pl.ds(q0 * hkv * ns, idx_sz)], idx_v)

        accs = (acc0, acc1)
        sems = (sem0, sem1)

        zeros16 = jnp.zeros((16,), jnp.float32)
        for acc in accs:
            def zero_body(i, _, acc=acc):
                for u in range(16):
                    acc[pl.ds((i * 16 + u) * 16, 16)] = zeros16
                return 0
            lax.fori_loop(0, acc_sz // 256, zero_body, 0)

        ones = jnp.ones((16,), jnp.float32)
        neg_ones = -ones

        def scat(cid, acc, vals):
            def body(j, _):
                s_local = j // vecs_per_s
                h2 = (j // vecs_per_h) % hkv
                base = (h2 * chunk + s_local) * s2
                iv = idx_v[pl.ds(cid * chunk * hkv * ns + j * 16, 16)] + base
                plsc.addupdate_scatter(acc, [iv], vals)
                return 0
            lax.fori_loop(0, vec_per_chunk, body, 0)

        def out_copies(cid, acc, sem):
            cps = []
            for h2 in range(hkv):
                row = h2 * s1 + q0 + cid * chunk
                cps.append(pltpu.make_async_copy(
                    acc.at[pl.ds(h2 * chunk * s2, chunk * s2)],
                    out_hbm.at[pl.ds(row * s2, chunk * s2)],
                    sem))
            return cps

        def chunk_pair(ci, _):
            for bsel in range(2):
                cid = ci * 2 + bsel
                acc, sem = accs[bsel], sems[bsel]

                @pl.when(cid >= 2)
                def _():
                    for cp in out_copies(cid - 2, acc, sem):
                        cp.wait()
                    scat(cid - 2, acc, neg_ones)

                scat(cid, acc, ones)
                for cp in out_copies(cid, acc, sem):
                    cp.start()
            return 0

        lax.fori_loop(0, n_chunks // 2, chunk_pair, 0)

        for bsel in range(2):
            cid = n_chunks - 2 + bsel
            for cp in out_copies(cid, accs[bsel], sems[bsel]):
                cp.wait()

    return hist



def _f16bits_to_f32(u):
    u32 = u.astype(jnp.uint32)
    bits = ((u32 & 0x8000) << 16) | ((u32 & 0x7FFF) << 13)
    return lax.bitcast_convert_type(bits, jnp.float32) * jnp.float32(2.0 ** 112)


def _f32_to_f16bits(x):
    u = lax.bitcast_convert_type(x, jnp.uint32)
    lsb = (u >> 13) & 1
    u = u + 0xFFF + lsb
    return (((u >> 16) & 0x8000) | ((u >> 13) & 0x7FFF)).astype(jnp.uint16)


def _attn_body(q_ref, k_ref, v_ref, c_ref, o_ref, *, g):
    tq = q_ref.shape[1]
    d = q_ref.shape[3]
    s2 = k_ref.shape[0]
    qb = _f16bits_to_f32(q_ref[0].reshape(tq * g, d)).astype(jnp.bfloat16)
    kb = k_ref[...]
    vb = v_ref[...]
    c = c_ref[...]

    s = lax.dot_general(qb, kb, (((1,), (1,)), ((), ())),
                        preferred_element_type=jnp.float32)
    p = jnp.exp2(s).reshape(tq, g, s2) * c[:, None, :]
    l = jnp.sum(p, axis=-1, keepdims=True)
    pb = p.astype(jnp.bfloat16).reshape(tq * g, s2)
    o = lax.dot_general(pb, vb, (((1,), (0,)), ((), ())),
                        preferred_element_type=jnp.float32)
    rl = jnp.float32(2.0 ** -112) / l.reshape(tq * g, 1)
    o_ref[0] = _f32_to_f16bits(o * rl).reshape(tq, g, d)


def _attention_b(qbuf, kt, vt, counts_b, bsel, hkv, s1, g, tq):
    d = qbuf.shape[3]
    s2 = counts_b.shape[1]
    grid = (hkv, s1 // tq)
    return pl.pallas_call(
        functools.partial(_attn_body, g=g),
        grid=grid,
        in_specs=[
            pl.BlockSpec((1, tq, g, d), lambda hh, ii: (bsel, ii, hh, 0)),
            pl.BlockSpec((s2, d), lambda hh, ii: (bsel * hkv + hh, 0)),
            pl.BlockSpec((s2, d), lambda hh, ii: (bsel * hkv + hh, 0)),
            pl.BlockSpec((tq, s2), lambda hh, ii: (hh * (s1 // tq) + ii, 0)),
        ],
        out_specs=pl.BlockSpec((1, tq, g, d), lambda hh, ii: (bsel, ii, hh, 0)),
        out_shape=jax.ShapeDtypeStruct(qbuf.shape, jnp.uint16),
        input_output_aliases={0: 0},
        compiler_params=pltpu.CompilerParams(
            dimension_semantics=("parallel", "arbitrary"),
        ),
    )(qbuf, kt, vt, counts_b)


def kernel(q, k, v, sparse_indices):
    b, s1, h, d = q.shape
    s2, hkv = k.shape[1], k.shape[2]
    ns = sparse_indices.shape[3]
    g = h // hkv

    hist = _make_histogram(s1, hkv, ns, s2)
    counts = [hist(sparse_indices[bb].reshape(s1 * hkv * ns))
              .reshape(hkv * s1, s2) for bb in range(b)]

    scale = math.log2(math.e) / math.sqrt(d)
    kt = ((k.transpose(0, 2, 1, 3).astype(jnp.float32) * scale)
          .reshape(b * hkv * s2, d).astype(jnp.bfloat16))
    vt = v.transpose(0, 2, 1, 3).reshape(b * hkv * s2, d).astype(jnp.bfloat16)
    buf = lax.bitcast_convert_type(q, jnp.uint16)
    for bb in range(b):
        buf = _attention_b(buf, kt, vt, counts[bb], bb, hkv, s1, g, tq=128)
    return lax.bitcast_convert_type(buf, jnp.float16)

# --- scband reference (transcript-rebuilt; emitter-appended) ---
"""Pipeline reference for scband-model-new-83339545411978 (READ-ONLY COPY).

The authoritative reference and input builder live on the scoring server;
editing this copy changes nothing except your own understanding.
"""

import jax, jax.numpy as jnp
import numpy as np

B, S1, S2 = 2, 2048, 2048
H, HKV, D = 32, 2, 128
NS = 128


def _sparse_attn(q, k, v, sparse_indices):
    Bq, S1q, Hq, Dq = q.shape
    Hkv = k.shape[2]
    G = Hq // Hkv
    scale = float(1.0 / np.sqrt(Dq))
    # pack q into [B, S1, Hkv, G, D] (GQA grouping, mirrors _pack_q)
    qg = q.reshape(Bq, S1q, Hkv, G, Dq)
    # gather selected KV rows per (batch, query-pos, kv-head):
    # kg[b, s, h2, n, :] = k[b, sparse_indices[b, s, h2, n], h2, :]
    b_idx = jnp.arange(Bq)[:, None, None, None]
    h_idx = jnp.arange(Hkv)[None, None, :, None]
    kg = k[b_idx, sparse_indices, h_idx]  # [B, S1, Hkv, NS, D] fp16
    vg = v[b_idx, sparse_indices, h_idx]  # [B, S1, Hkv, NS, D] fp16
    # flash-attention math: fp16 matmuls with fp32 accumulation
    scores = jnp.einsum('bshgd,bshnd->bshgn', qg, kg, preferred_element_type=jnp.float32) * scale
    probs = jax.nn.softmax(scores, axis=-1)
    out = jnp.einsum('bshgn,bshnd->bshgd', probs.astype(jnp.float16), vg, preferred_element_type=jnp.float32)
    # unpack back to [B, S1, H, D] fp16 (mirrors _unpack_output + .to(float16))
    return out.reshape(Bq, S1q, Hq, Dq).astype(jnp.float16)


def setup_inputs(seed: int = 0) -> dict:
    key = jax.random.key(seed)
    k1, k2, k3, k4 = jax.random.split(key, 4)
    q = jax.random.normal(k1, (B, S1, H, D), dtype=jnp.float32).astype(jnp.float16)
    k = jax.random.normal(k2, (B, S2, HKV, D), dtype=jnp.float32).astype(jnp.float16)
    v = jax.random.normal(k3, (B, S2, HKV, D), dtype=jnp.float32).astype(jnp.float16)
    sparse_indices = jax.random.randint(k4, (B, S1, HKV, NS), 0, S2, dtype=jnp.int32)
    return {'q': q, 'k': k, 'v': v, 'sparse_indices': sparse_indices}


def reference(q, k, v, sparse_indices):
    return _sparse_attn(q, k, v, sparse_indices)

if __name__ == "__main__":
    import jax
    _d = setup_inputs()
    print(jax.jit(kernel)(*tuple(_d.values())))

</pallas_src>

<mosaic_0001>
#map = affine_map<(d0, d1) -> (0)>
module attributes {stable_mosaic.version = 14 : i64} {
  func.func @hist(%arg0: i32, %arg1: i32, %arg2: memref<524288xi32, #tpu.memory_space<hbm>>, %arg3: memref<8388608xf32, #tpu.memory_space<hbm>>, %arg4: memref<16384xi32, #tpu.memory_space<vmem>>, %arg5: memref<32768xf32, #tpu.memory_space<vmem>>, %arg6: memref<32768xf32, #tpu.memory_space<vmem>>, %arg7: memref<!tpu.dma_semaphore, #tpu.memory_space<semaphore_mem>>, %arg8: memref<!tpu.dma_semaphore, #tpu.memory_space<semaphore_mem>>) attributes {dimension_semantics = [#tpu.dimension_semantics<core_parallel>, #tpu.dimension_semantics<subcore_parallel>], iteration_bounds = array<i64: 2, 16>, scalar_prefetch = 0 : i64, scratch_operands = 5 : i64, tpu.core_type = #tpu.core_type<sc_vector_subcore>, window_params = [{transform_indices = #map}, {transform_indices = #map}]} {
    %mul3A = arith.constant 2 : i32
    %mul3A_0 = arith.muli %arg1, %mul3A : i32
    %add3A = arith.addi %mul3A_0, %arg0 : i32
    %mul3A_1 = arith.constant 64 : i32
    %mul3A_2 = arith.muli %add3A, %mul3A_1 : i32
    %mul3A_3 = arith.constant 2 : i32
    %mul3A_4 = arith.muli %mul3A_2, %mul3A_3 : i32
    %mul3A_5 = arith.constant 128 : i32
    %mul3A_6 = arith.muli %mul3A_4, %mul3A_5 : i32
    "tpu.region"() ({
      %run_scoped3A = tpu.sem_alloc : memref<!tpu.dma_semaphore, #tpu.memory_space<semaphore_mem>>
      %dma_start3A = tpu.memref_slice %arg2[%mul3A_6] : memref<524288xi32, #tpu.memory_space<hbm>> -> memref<16384xi32, #tpu.memory_space<hbm>>
      %dma_start3A_79 = tpu.memref_slice %arg2[%mul3A_6] : memref<524288xi32, #tpu.memory_space<hbm>> -> memref<16384xi32, #tpu.memory_space<hbm>>
      tpu.enqueue_dma source(%dma_start3A_79 : memref<16384xi32, #tpu.memory_space<hbm>>) target(%arg4 : memref<16384xi32, #tpu.memory_space<vmem>>) target_semaphore(%run_scoped3A : memref<!tpu.dma_semaphore, #tpu.memory_space<semaphore_mem>>)
      %dma_wait3A_80 = tpu.memref_slice %arg2[%mul3A_6] : memref<524288xi32, #tpu.memory_space<hbm>> -> memref<16384xi32, #tpu.memory_space<hbm>>
      %dma_wait3A_81 = tpu.memref_slice %arg2[%mul3A_6] : memref<524288xi32, #tpu.memory_space<hbm>> -> memref<16384xi32, #tpu.memory_space<hbm>>
      tpu.wait_dma2 semaphore(%run_scoped3A : memref<!tpu.dma_semaphore, #tpu.memory_space<semaphore_mem>>) src(%dma_wait3A_81 : memref<16384xi32, #tpu.memory_space<hbm>>) dst(%arg4 : memref<16384xi32, #tpu.memory_space<vmem>>)
      tpu.yield
    }) : () -> ()
    %broadcast_in_dim3A = arith.constant 0.000000e+00 : f32
    %broadcast_in_dim3A_7 = vector.broadcast %broadcast_in_dim3A : f32 to vector<16xf32>
    %scan3A = arith.constant 0 : i32
    %scan3A_8 = arith.constant 0 : i32
    %scan3A_9 = arith.constant 128 : i32
    %scan3A_10 = arith.addi %scan3A_8, %scan3A_9 : i32
    %scan3A_11 = arith.constant 1 : i32
    %scan3A_12 = scf.for %scan3A_79 = %scan3A_8 to %scan3A_10 step %scan3A_11 iter_args(%scan3A_80 = %scan3A) -> (i32)  : i32 {
      %mul3A_81 = arith.constant 16 : i32
      %mul3A_82 = arith.muli %scan3A_79, %mul3A_81 : i32
      %add3A_83 = arith.constant 0 : i32
      %add3A_84 = arith.addi %mul3A_82, %add3A_83 : i32
      %mul3A_85 = arith.constant 16 : i32
      %mul3A_86 = arith.muli %add3A_84, %mul3A_85 : i32
      %swap3A = arith.index_cast %mul3A_86 : i32 to index
      %swap3A_87 = tpu.vector_load %arg5[%swap3A] {strides = array<i32>} : memref<32768xf32, #tpu.memory_space<vmem>>, vector<16xf32>,
      tpu.vector_store %arg5[%swap3A], %broadcast_in_dim3A_7 {strides = array<i32>} : memref<32768xf32, #tpu.memory_space<vmem>>, vector<16xf32>,
      %mul3A_88 = arith.constant 16 : i32
      %mul3A_89 = arith.muli %scan3A_79, %mul3A_88 : i32
      %add3A_90 = arith.constant 1 : i32
      %add3A_91 = arith.addi %mul3A_89, %add3A_90 : i32
      %mul3A_92 = arith.constant 16 : i32
      %mul3A_93 = arith.muli %add3A_91, %mul3A_92 : i32
      %swap3A_94 = arith.index_cast %mul3A_93 : i32 to index
      %swap3A_95 = tpu.vector_load %arg5[%swap3A_94] {strides = array<i32>} : memref<32768xf32, #tpu.memory_space<vmem>>, vector<16xf32>,
      tpu.vector_store %arg5[%swap3A_94], %broadcast_in_dim3A_7 {strides = array<i32>} : memref<32768xf32, #tpu.memory_space<vmem>>, vector<16xf32>,
      %mul3A_96 = arith.constant 16 : i32
      %mul3A_97 = arith.muli %scan3A_79, %mul3A_96 : i32
      %add3A_98 = arith.constant 2 : i32
      %add3A_99 = arith.addi %mul3A_97, %add3A_98 : i32
      %mul3A_100 = arith.constant 16 : i32
      %mul3A_101 = arith.muli %add3A_99, %mul3A_100 : i32
      %swap3A_102 = arith.index_cast %mul3A_101 : i32 to index
      %swap3A_103 = tpu.vector_load %arg5[%swap3A_102] {strides = array<i32>} : memref<32768xf32, #tpu.memory_space<vmem>>, vector<16xf32>,
      tpu.vector_store %arg5[%swap3A_102], %broadcast_in_dim3A_7 {strides = array<i32>} : memref<32768xf32, #tpu.memory_space<vmem>>, vector<16xf32>,
      %mul3A_104 = arith.constant 16 : i32
      %mul3A_105 = arith.muli %scan3A_79, %mul3A_104 : i32
      %add3A_106 = arith.constant 3 : i32
      %add3A_107 = arith.addi %mul3A_105, %add3A_106 : i32
      %mul3A_108 = arith.constant 16 : i32
      %mul3A_109 = arith.muli %add3A_107, %mul3A_108 : i32
      %swap3A_110 = arith.index_cast %mul3A_109 : i32 to index
      %swap3A_111 = tpu.vector_load %arg5[%swap3A_110] {strides = array<i32>} : memref<32768xf32, #tpu.memory_space<vmem>>, vector<16xf32>,
      tpu.vector_store %arg5[%swap3A_110], %broadcast_in_dim3A_7 {strides = array<i32>} : memref<32768xf32, #tpu.memory_space<vmem>>, vector<16xf32>,
      %mul3A_112 = arith.constant 16 : i32
      %mul3A_113 = arith.muli %scan3A_79, %mul3A_112 : i32
      %add3A_114 = arith.constant 4 : i32
      %add3A_115 = arith.addi %mul3A_113, %add3A_114 : i32
      %mul3A_116 = arith.constant 16 : i32
      %mul3A_117 = arith.muli %add3A_115, %mul3A_116 : i32
      %swap3A_118 = arith.index_cast %mul3A_117 : i32 to index
      %swap3A_119 = tpu.vector_load %arg5[%swap3A_118] {strides = array<i32>} : memref<32768xf32, #tpu.memory_space<vmem>>, vector<16xf32>,
      tpu.vector_store %arg5[%swap3A_118], %broadcast_in_dim3A_7 {strides = array<i32>} : memref<32768xf32, #tpu.memory_space<vmem>>, vector<16xf32>,
      %mul3A_120 = arith.constant 16 : i32
      %mul3A_121 = arith.muli %scan3A_79, %mul3A_120 : i32
      %add3A_122 = arith.constant 5 : i32
      %add3A_123 = arith.addi %mul3A_121, %add3A_122 : i32
      %mul3A_124 = arith.constant 16 : i32
      %mul3A_125 = arith.muli %add3A_123, %mul3A_124 : i32
      %swap3A_126 = arith.index_cast %mul3A_125 : i32 to index
      %swap3A_127 = tpu.vector_load %arg5[%swap3A_126] {strides = array<i32>} : memref<32768xf32, #tpu.memory_space<vmem>>, vector<16xf32>,
      tpu.vector_store %arg5[%swap3A_126], %broadcast_in_dim3A_7 {strides = array<i32>} : memref<32768xf32, #tpu.memory_space<vmem>>, vector<16xf32>,
      %mul3A_128 = arith.constant 16 : i32
      %mul3A_129 = arith.muli %scan3A_79, %mul3A_128 : i32
      %add3A_130 = arith.constant 6 : i32
      %add3A_131 = arith.addi %mul3A_129, %add3A_130 : i32
      %mul3A_132 = arith.constant 16 : i32
      %mul3A_133 = arith.muli %add3A_131, %mul3A_132 : i32
      %swap3A_134 = arith.index_cast %mul3A_133 : i32 to index
      %swap3A_135 = tpu.vector_load %arg5[%swap3A_134] {strides = array<i32>} : memref<32768xf32, #tpu.memory_space<vmem>>, vector<16xf32>,
      tpu.vector_store %arg5[%swap3A_134], %broadcast_in_dim3A_7 {strides = array<i32>} : memref<32768xf32, #tpu.memory_space<vmem>>, vector<16xf32>,
      %mul3A_136 = arith.constant 16 : i32
      %mul3A_137 = arith.muli %scan3A_79, %mul3A_136 : i32
      %add3A_138 = arith.constant 7 : i32
      %add3A_139 = arith.addi %mul3A_137, %add3A_138 : i32
      %mul3A_140 = arith.constant 16 : i32
      %mul3A_141 = arith.muli %add3A_139, %mul3A_140 : i32
      %swap3A_142 = arith.index_cast %mul3A_141 : i32 to index
      %swap3A_143 = tpu.vector_load %arg5[%swap3A_142] {strides = array<i32>} : memref<32768xf32, #tpu.memory_space<vmem>>, vector<16xf32>,
      tpu.vector_store %arg5[%swap3A_142], %broadcast_in_dim3A_7 {strides = array<i32>} : memref<32768xf32, #tpu.memory_space<vmem>>, vector<16xf32>,
      %mul3A_144 = arith.constant 16 : i32
      %mul3A_145 = arith.muli %scan3A_79, %mul3A_144 : i32
      %add3A_146 = arith.constant 8 : i32
      %add3A_147 = arith.addi %mul3A_145, %add3A_146 : i32
      %mul3A_148 = arith.constant 16 : i32
      %mul3A_149 = arith.muli %add3A_147, %mul3A_148 : i32
      %swap3A_150 = arith.index_cast %mul3A_149 : i32 to index
      %swap3A_151 = tpu.vector_load %arg5[%swap3A_150] {strides = array<i32>} : memref<32768xf32, #tpu.memory_space<vmem>>, vector<16xf32>,
      tpu.vector_store %arg5[%swap3A_150], %broadcast_in_dim3A_7 {strides = array<i32>} : memref<32768xf32, #tpu.memory_space<vmem>>, vector<16xf32>,
      %mul3A_152 = arith.constant 16 : i32
      %mul3A_153 = arith.muli %scan3A_79, %mul3A_152 : i32
      %add3A_154 = arith.constant 9 : i32
      %add3A_155 = arith.addi %mul3A_153, %add3A_154 : i32
      %mul3A_156 = arith.constant 16 : i32
      %mul3A_157 = arith.muli %add3A_155, %mul3A_156 : i32
      %swap3A_158 = arith.index_cast %mul3A_157 : i32 to index
      %swap3A_159 = tpu.vector_load %arg5[%swap3A_158] {strides = array<i32>} : memref<32768xf32, #tpu.memory_space<vmem>>, vector<16xf32>,
      tpu.vector_store %arg5[%swap3A_158], %broadcast_in_dim3A_7 {strides = array<i32>} : memref<32768xf32, #tpu.memory_space<vmem>>, vector<16xf32>,
      %mul3A_160 = arith.constant 16 : i32
      %mul3A_161 = arith.muli %scan3A_79, %mul3A_160 : i32
      %add3A_162 = arith.constant 10 : i32
      %add3A_163 = arith.addi %mul3A_161, %add3A_162 : i32
      %mul3A_164 = arith.constant 16 : i32
      %mul3A_165 = arith.muli %add3A_163, %mul3A_164 : i32
      %swap3A_166 = arith.index_cast %mul3A_165 : i32 to index
      %swap3A_167 = tpu.vector_load %arg5[%swap3A_166] {strides = array<i32>} : memref<32768xf32, #tpu.memory_space<vmem>>, vector<16xf32>,
      tpu.vector_store %arg5[%swap3A_166], %broadcast_in_dim3A_7 {strides = array<i32>} : memref<32768xf32, #tpu.memory_space<vmem>>, vector<16xf32>,
      %mul3A_168 = arith.constant 16 : i32
      %mul3A_169 = arith.muli %scan3A_79, %mul3A_168 : i32
      %add3A_170 = arith.constant 11 : i32
      %add3A_171 = arith.addi %mul3A_169, %add3A_170 : i32
      %mul3A_172 = arith.constant 16 : i32
      %mul3A_173 = arith.muli %add3A_171, %mul3A_172 : i32
      %swap3A_174 = arith.index_cast %mul3A_173 : i32 to index
      %swap3A_175 = tpu.vector_load %arg5[%swap3A_174] {strides = array<i32>} : memref<32768xf32, #tpu.memory_space<vmem>>, vector<16xf32>,
      tpu.vector_store %arg5[%swap3A_174], %broadcast_in_dim3A_7 {strides = array<i32>} : memref<32768xf32, #tpu.memory_space<vmem>>, vector<16xf32>,
      %mul3A_176 = arith.constant 16 : i32
      %mul3A_177 = arith.muli %scan3A_79, %mul3A_176 : i32
      %add3A_178 = arith.constant 12 : i32
      %add3A_179 = arith.addi %mul3A_177, %add3A_178 : i32
      %mul3A_180 = arith.constant 16 : i32
      %mul3A_181 = arith.muli %add3A_179, %mul3A_180 : i32
      %swap3A_182 = arith.index_cast %mul3A_181 : i32 to index
      %swap3A_183 = tpu.vector_load %arg5[%swap3A_182] {strides = array<i32>} : memref<32768xf32, #tpu.memory_space<vmem>>, vector<16xf32>,
      tpu.vector_store %arg5[%swap3A_182], %broadcast_in_dim3A_7 {strides = array<i32>} : memref<32768xf32, #tpu.memory_space<vmem>>, vector<16xf32>,
      %mul3A_184 = arith.constant 16 : i32
      %mul3A_185 = arith.muli %scan3A_79, %mul3A_184 : i32
      %add3A_186 = arith.constant 13 : i32
      %add3A_187 = arith.addi %mul3A_185, %add3A_186 : i32
      %mul3A_188 = arith.constant 16 : i32
      %mul3A_189 = arith.muli %add3A_187, %mul3A_188 : i32
      %swap3A_190 = arith.index_cast %mul3A_189 : i32 to index
      %swap3A_191 = tpu.vector_load %arg5[%swap3A_190] {strides = array<i32>} : memref<32768xf32, #tpu.memory_space<vmem>>, vector<16xf32>,
      tpu.vector_store %arg5[%swap3A_190], %broadcast_in_dim3A_7 {strides = array<i32>} : memref<32768xf32, #tpu.memory_space<vmem>>, vector<16xf32>,
      %mul3A_192 = arith.constant 16 : i32
      %mul3A_193 = arith.muli %scan3A_79, %mul3A_192 : i32
      %add3A_194 = arith.constant 14 : i32
      %add3A_195 = arith.addi %mul3A_193, %add3A_194 : i32
      %mul3A_196 = arith.constant 16 : i32
      %mul3A_197 = arith.muli %add3A_195, %mul3A_196 : i32
      %swap3A_198 = arith.index_cast %mul3A_197 : i32 to index
      %swap3A_199 = tpu.vector_load %arg5[%swap3A_198] {strides = array<i32>} : memref<32768xf32, #tpu.memory_space<vmem>>, vector<16xf32>,
      tpu.vector_store %arg5[%swap3A_198], %broadcast_in_dim3A_7 {strides = array<i32>} : memref<32768xf32, #tpu.memory_space<vmem>>, vector<16xf32>,
      %mul3A_200 = arith.constant 16 : i32
      %mul3A_201 = arith.muli %scan3A_79, %mul3A_200 : i32
      %add3A_202 = arith.constant 15 : i32
      %add3A_203 = arith.addi %mul3A_201, %add3A_202 : i32
      %mul3A_204 = arith.constant 16 : i32
      %mul3A_205 = arith.muli %add3A_203, %mul3A_204 : i32
      %swap3A_206 = arith.index_cast %mul3A_205 : i32 to index
      %swap3A_207 = tpu.vector_load %arg5[%swap3A_206] {strides = array<i32>} : memref<32768xf32, #tpu.memory_space<vmem>>, vector<16xf32>,
      tpu.vector_store %arg5[%swap3A_206], %broadcast_in_dim3A_7 {strides = array<i32>} : memref<32768xf32, #tpu.memory_space<vmem>>, vector<16xf32>,
      %scan3A_208 = arith.constant 0 : i32
      scf.yield %scan3A_208 : i32
    }
    %scan3A_13 = arith.constant 128 : i32
    %scan3A_14 = arith.constant 0 : i32
    %scan3A_15 = arith.constant 0 : i32
    %scan3A_16 = arith.constant 128 : i32
    %scan3A_17 = arith.addi %scan3A_15, %scan3A_16 : i32
    %scan3A_18 = arith.constant 1 : i32
    %scan3A_19 = scf.for %scan3A_79 = %scan3A_15 to %scan3A_17 step %scan3A_18 iter_args(%scan3A_80 = %scan3A_14) -> (i32)  : i32 {
      %mul3A_81 = arith.constant 16 : i32
      %mul3A_82 = arith.muli %scan3A_79, %mul3A_81 : i32
      %add3A_83 = arith.constant 0 : i32
      %add3A_84 = arith.addi %mul3A_82, %add3A_83 : i32
      %mul3A_85 = arith.constant 16 : i32
      %mul3A_86 = arith.muli %add3A_84, %mul3A_85 : i32
      %swap3A = arith.index_cast %mul3A_86 : i32 to index
      %swap3A_87 = tpu.vector_load %arg6[%swap3A] {strides = array<i32>} : memref<32768xf32, #tpu.memory_space<vmem>>, vector<16xf32>,
      tpu.vector_store %arg6[%swap3A], %broadcast_in_dim3A_7 {strides = array<i32>} : memref<32768xf32, #tpu.memory_space<vmem>>, vector<16xf32>,
      %mul3A_88 = arith.constant 16 : i32
      %mul3A_89 = arith.muli %scan3A_79, %mul3A_88 : i32
      %add3A_90 = arith.constant 1 : i32
      %add3A_91 = arith.addi %mul3A_89, %add3A_90 : i32
      %mul3A_92 = arith.constant 16 : i32
      %mul3A_93 = arith.muli %add3A_91, %mul3A_92 : i32
      %swap3A_94 = arith.index_cast %mul3A_93 : i32 to index
      %swap3A_95 = tpu.vector_load %arg6[%swap3A_94] {strides = array<i32>} : memref<32768xf32, #tpu.memory_space<vmem>>, vector<16xf32>,
      tpu.vector_store %arg6[%swap3A_94], %broadcast_in_dim3A_7 {strides = array<i32>} : memref<32768xf32, #tpu.memory_space<vmem>>, vector<16xf32>,
      %mul3A_96 = arith.constant 16 : i32
      %mul3A_97 = arith.muli %scan3A_79, %mul3A_96 : i32
      %add3A_98 = arith.constant 2 : i32
      %add3A_99 = arith.addi %mul3A_97, %add3A_98 : i32
      %mul3A_100 = arith.constant 16 : i32
      %mul3A_101 = arith.muli %add3A_99, %mul3A_100 : i32
      %swap3A_102 = arith.index_cast %mul3A_101 : i32 to index
      %swap3A_103 = tpu.vector_load %arg6[%swap3A_102] {strides = array<i32>} : memref<32768xf32, #tpu.memory_space<vmem>>, vector<16xf32>,
      tpu.vector_store %arg6[%swap3A_102], %broadcast_in_dim3A_7 {strides = array<i32>} : memref<32768xf32, #tpu.memory_space<vmem>>, vector<16xf32>,
      %mul3A_104 = arith.constant 16 : i32
      %mul3A_105 = arith.muli %scan3A_79, %mul3A_104 : i32
      %add3A_106 = arith.constant 3 : i32
      %add3A_107 = arith.addi %mul3A_105, %add3A_106 : i32
      %mul3A_108 = arith.constant 16 : i32
      %mul3A_109 = arith.muli %add3A_107, %mul3A_108 : i32
      %swap3A_110 = arith.index_cast %mul3A_109 : i32 to index
      %swap3A_111 = tpu.vector_load %arg6[%swap3A_110] {strides = array<i32>} : memref<32768xf32, #tpu.memory_space<vmem>>, vector<16xf32>,
      tpu.vector_store %arg6[%swap3A_110], %broadcast_in_dim3A_7 {strides = array<i32>} : memref<32768xf32, #tpu.memory_space<vmem>>, vector<16xf32>,
      %mul3A_112 = arith.constant 16 : i32
      %mul3A_113 = arith.muli %scan3A_79, %mul3A_112 : i32
      %add3A_114 = arith.constant 4 : i32
      %add3A_115 = arith.addi %mul3A_113, %add3A_114 : i32
      %mul3A_116 = arith.constant 16 : i32
      %mul3A_117 = arith.muli %add3A_115, %mul3A_116 : i32
      %swap3A_118 = arith.index_cast %mul3A_117 : i32 to index
      %swap3A_119 = tpu.vector_load %arg6[%swap3A_118] {strides = array<i32>} : memref<32768xf32, #tpu.memory_space<vmem>>, vector<16xf32>,
      tpu.vector_store %arg6[%swap3A_118], %broadcast_in_dim3A_7 {strides = array<i32>} : memref<32768xf32, #tpu.memory_space<vmem>>, vector<16xf32>,
      %mul3A_120 = arith.constant 16 : i32
      %mul3A_121 = arith.muli %scan3A_79, %mul3A_120 : i32
      %add3A_122 = arith.constant 5 : i32
      %add3A_123 = arith.addi %mul3A_121, %add3A_122 : i32
      %mul3A_124 = arith.constant 16 : i32
      %mul3A_125 = arith.muli %add3A_123, %mul3A_124 : i32
      %swap3A_126 = arith.index_cast %mul3A_125 : i32 to index
      %swap3A_127 = tpu.vector_load %arg6[%swap3A_126] {strides = array<i32>} : memref<32768xf32, #tpu.memory_space<vmem>>, vector<16xf32>,
      tpu.vector_store %arg6[%swap3A_126], %broadcast_in_dim3A_7 {strides = array<i32>} : memref<32768xf32, #tpu.memory_space<vmem>>, vector<16xf32>,
      %mul3A_128 = arith.constant 16 : i32
      %mul3A_129 = arith.muli %scan3A_79, %mul3A_128 : i32
      %add3A_130 = arith.constant 6 : i32
      %add3A_131 = arith.addi %mul3A_129, %add3A_130 : i32
      %mul3A_132 = arith.constant 16 : i32
      %mul3A_133 = arith.muli %add3A_131, %mul3A_132 : i32
      %swap3A_134 = arith.index_cast %mul3A_133 : i32 to index
      %swap3A_135 = tpu.vector_load %arg6[%swap3A_134] {strides = array<i32>} : memref<32768xf32, #tpu.memory_space<vmem>>, vector<16xf32>,
      tpu.vector_store %arg6[%swap3A_134], %broadcast_in_dim3A_7 {strides = array<i32>} : memref<32768xf32, #tpu.memory_space<vmem>>, vector<16xf32>,
      %mul3A_136 = arith.constant 16 : i32
      %mul3A_137 = arith.muli %scan3A_79, %mul3A_136 : i32
      %add3A_138 = arith.constant 7 : i32
      %add3A_139 = arith.addi %mul3A_137, %add3A_138 : i32
      %mul3A_140 = arith.constant 16 : i32
      %mul3A_141 = arith.muli %add3A_139, %mul3A_140 : i32
      %swap3A_142 = arith.index_cast %mul3A_141 : i32 to index
      %swap3A_143 = tpu.vector_load %arg6[%swap3A_142] {strides = array<i32>} : memref<32768xf32, #tpu.memory_space<vmem>>, vector<16xf32>,
      tpu.vector_store %arg6[%swap3A_142], %broadcast_in_dim3A_7 {strides = array<i32>} : memref<32768xf32, #tpu.memory_space<vmem>>, vector<16xf32>,
      %mul3A_144 = arith.constant 16 : i32
      %mul3A_145 = arith.muli %scan3A_79, %mul3A_144 : i32
      %add3A_146 = arith.constant 8 : i32
      %add3A_147 = arith.addi %mul3A_145, %add3A_146 : i32
      %mul3A_148 = arith.constant 16 : i32
      %mul3A_149 = arith.muli %add3A_147, %mul3A_148 : i32
      %swap3A_150 = arith.index_cast %mul3A_149 : i32 to index
      %swap3A_151 = tpu.vector_load %arg6[%swap3A_150] {strides = array<i32>} : memref<32768xf32, #tpu.memory_space<vmem>>, vector<16xf32>,
      tpu.vector_store %arg6[%swap3A_150], %broadcast_in_dim3A_7 {strides = array<i32>} : memref<32768xf32, #tpu.memory_space<vmem>>, vector<16xf32>,
      %mul3A_152 = arith.constant 16 : i32
      %mul3A_153 = arith.muli %scan3A_79, %mul3A_152 : i32
      %add3A_154 = arith.constant 9 : i32
      %add3A_155 = arith.addi %mul3A_153, %add3A_154 : i32
      %mul3A_156 = arith.constant 16 : i32
      %mul3A_157 = arith.muli %add3A_155, %mul3A_156 : i32
      %swap3A_158 = arith.index_cast %mul3A_157 : i32 to index
      %swap3A_159 = tpu.vector_load %arg6[%swap3A_158] {strides = array<i32>} : memref<32768xf32, #tpu.memory_space<vmem>>, vector<16xf32>,
      tpu.vector_store %arg6[%swap3A_158], %broadcast_in_dim3A_7 {strides = array<i32>} : memref<32768xf32, #tpu.memory_space<vmem>>, vector<16xf32>,
      %mul3A_160 = arith.constant 16 : i32
      %mul3A_161 = arith.muli %scan3A_79, %mul3A_160 : i32
      %add3A_162 = arith.constant 10 : i32
      %add3A_163 = arith.addi %mul3A_161, %add3A_162 : i32
      %mul3A_164 = arith.constant 16 : i32
      %mul3A_165 = arith.muli %add3A_163, %mul3A_164 : i32
      %swap3A_166 = arith.index_cast %mul3A_165 : i32 to index
      %swap3A_167 = tpu.vector_load %arg6[%swap3A_166] {strides = array<i32>} : memref<32768xf32, #tpu.memory_space<vmem>>, vector<16xf32>,
      tpu.vector_store %arg6[%swap3A_166], %broadcast_in_dim3A_7 {strides = array<i32>} : memref<32768xf32, #tpu.memory_space<vmem>>, vector<16xf32>,
      %mul3A_168 = arith.constant 16 : i32
      %mul3A_169 = arith.muli %scan3A_79, %mul3A_168 : i32
      %add3A_170 = arith.constant 11 : i32
      %add3A_171 = arith.addi %mul3A_169, %add3A_170 : i32
      %mul3A_172 = arith.constant 16 : i32
      %mul3A_173 = arith.muli %add3A_171, %mul3A_172 : i32
      %swap3A_174 = arith.index_cast %mul3A_173 : i32 to index
      %swap3A_175 = tpu.vector_load %arg6[%swap3A_174] {strides = array<i32>} : memref<32768xf32, #tpu.memory_space<vmem>>, vector<16xf32>,
      tpu.vector_store %arg6[%swap3A_174], %broadcast_in_dim3A_7 {strides = array<i32>} : memref<32768xf32, #tpu.memory_space<vmem>>, vector<16xf32>,
      %mul3A_176 = arith.constant 16 : i32
      %mul3A_177 = arith.muli %scan3A_79, %mul3A_176 : i32
      %add3A_178 = arith.constant 12 : i32
      %add3A_179 = arith.addi %mul3A_177, %add3A_178 : i32
      %mul3A_180 = arith.constant 16 : i32
      %mul3A_181 = arith.muli %add3A_179, %mul3A_180 : i32
      %swap3A_182 = arith.index_cast %mul3A_181 : i32 to index
      %swap3A_183 = tpu.vector_load %arg6[%swap3A_182] {strides = array<i32>} : memref<32768xf32, #tpu.memory_space<vmem>>, vector<16xf32>,
      tpu.vector_store %arg6[%swap3A_182], %broadcast_in_dim3A_7 {strides = array<i32>} : memref<32768xf32, #tpu.memory_space<vmem>>, vector<16xf32>,
      %mul3A_184 = arith.constant 16 : i32
      %mul3A_185 = arith.muli %scan3A_79, %mul3A_184 : i32
      %add3A_186 = arith.constant 13 : i32
      %add3A_187 = arith.addi %mul3A_185, %add3A_186 : i32
      %mul3A_188 = arith.constant 16 : i32
      %mul3A_189 = arith.muli %add3A_187, %mul3A_188 : i32
      %swap3A_190 = arith.index_cast %mul3A_189 : i32 to index
      %swap3A_191 = tpu.vector_load %arg6[%swap3A_190] {strides = array<i32>} : memref<32768xf32, #tpu.memory_space<vmem>>, vector<16xf32>,
      tpu.vector_store %arg6[%swap3A_190], %broadcast_in_dim3A_7 {strides = array<i32>} : memref<32768xf32, #tpu.memory_space<vmem>>, vector<16xf32>,
      %mul3A_192 = arith.constant 16 : i32
      %mul3A_193 = arith.muli %scan3A_79, %mul3A_192 : i32
      %add3A_194 = arith.constant 14 : i32
      %add3A_195 = arith.addi %mul3A_193, %add3A_194 : i32
      %mul3A_196 = arith.constant 16 : i32
      %mul3A_197 = arith.muli %add3A_195, %mul3A_196 : i32
      %swap3A_198 = arith.index_cast %mul3A_197 : i32 to index
      %swap3A_199 = tpu.vector_load %arg6[%swap3A_198] {strides = array<i32>} : memref<32768xf32, #tpu.memory_space<vmem>>, vector<16xf32>,
      tpu.vector_store %arg6[%swap3A_198], %broadcast_in_dim3A_7 {strides = array<i32>} : memref<32768xf32, #tpu.memory_space<vmem>>, vector<16xf32>,
      %mul3A_200 = arith.constant 16 : i32
      %mul3A_201 = arith.muli %scan3A_79, %mul3A_200 : i32
      %add3A_202 = arith.constant 15 : i32
      %add3A_203 = arith.addi %mul3A_201, %add3A_202 : i32
      %mul3A_204 = arith.constant 16 : i32
      %mul3A_205 = arith.muli %add3A_203, %mul3A_204 : i32
      %swap3A_206 = arith.index_cast %mul3A_205 : i32 to index
      %swap3A_207 = tpu.vector_load %arg6[%swap3A_206] {strides = array<i32>} : memref<32768xf32, #tpu.memory_space<vmem>>, vector<16xf32>,
      tpu.vector_store %arg6[%swap3A_206], %broadcast_in_dim3A_7 {strides = array<i32>} : memref<32768xf32, #tpu.memory_space<vmem>>, vector<16xf32>,
      %scan3A_208 = arith.constant 0 : i32
      scf.yield %scan3A_208 : i32
    }
    %scan3A_20 = arith.constant 128 : i32
    %broadcast_in_dim3A_21 = arith.constant 1.000000e+00 : f32
    %broadcast_in_dim3A_22 = vector.broadcast %broadcast_in_dim3A_21 : f32 to vector<16xf32>
    %neg3A = arith.constant 0.000000e+00 : f32
    %neg3A_23 = vector.broadcast %neg3A : f32 to vector<16xf32>
    %neg3A_24 = arith.subf %neg3A_23, %broadcast_in_dim3A_22 : vector<16xf32>
    %scan3A_25 = arith.constant 0 : i32
    %scan3A_26 = arith.constant 0 : i32
    %scan3A_27 = arith.constant 4 : i32
    %scan3A_28 = arith.addi %scan3A_26, %scan3A_27 : i32
    %scan3A_29 = arith.constant 1 : i32
    %scan3A_30 = scf.for %scan3A_79 = %scan3A_26 to %scan3A_28 step %scan3A_29 iter_args(%scan3A_80 = %scan3A_25) -> (i32)  : i32 {
      %mul3A_81 = arith.constant 2 : i32
      %mul3A_82 = arith.muli %scan3A_79, %mul3A_81 : i32
      %add3A_83 = arith.constant 0 : i32
      %add3A_84 = arith.addi %mul3A_82, %add3A_83 : i32
      %ge3A = arith.constant 2 : i32
      %ge3A_85 = arith.cmpi sge, %add3A_84, %ge3A : i32
      %convert_element_type3A = arith.extui %ge3A_85 : i1 to i32
      %cond3A = arith.constant 0 : i32
      %cond3A_86 = arith.cmpi ne, %convert_element_type3A, %cond3A : i32
      scf.if %cond3A_86 {
        %sub3A = arith.constant 2 : i32
        %sub3A_162 = arith.subi %add3A_84, %sub3A : i32
        %add3A_163 = arith.constant 0 : i32
        %add3A_164 = arith.addi %add3A_163, %mul3A_2 : i32
        %mul3A_165 = arith.constant 8 : i32
        %mul3A_166 = arith.muli %sub3A_162, %mul3A_165 : i32
        %add3A_167 = arith.addi %add3A_164, %mul3A_166 : i32
        %mul3A_168 = arith.constant 2048 : i32
        %mul3A_169 = arith.muli %add3A_167, %mul3A_168 : i32
        %add3A_170 = arith.constant 2048 : i32
        %add3A_171 = arith.addi %add3A_170, %mul3A_2 : i32
        %mul3A_172 = arith.constant 8 : i32
        %mul3A_173 = arith.muli %sub3A_162, %mul3A_172 : i32
        %add3A_174 = arith.addi %add3A_171, %mul3A_173 : i32
        %mul3A_175 = arith.constant 2048 : i32
        %mul3A_176 = arith.muli %add3A_174, %mul3A_175 : i32
        %dma_wait3A_177 = arith.constant 0 : i32
        %dma_wait3A_178 = tpu.memref_slice %arg5[%dma_wait3A_177] : memref<32768xf32, #tpu.memory_space<vmem>> -> memref<16384xf32, #tpu.memory_space<vmem>>
        %dma_wait3A_179 = tpu.memref_slice %arg3[%mul3A_169] : memref<8388608xf32, #tpu.memory_space<hbm>> -> memref<16384xf32, #tpu.memory_space<hbm>>
        %dma_wait3A_180 = tpu.memref_slice %arg3[%mul3A_169] : memref<8388608xf32, #tpu.memory_space<hbm>> -> memref<16384xf32, #tpu.memory_space<hbm>>
        %dma_wait3A_181 = arith.constant 0 : i32
        %dma_wait3A_182 = tpu.memref_slice %arg5[%dma_wait3A_181] : memref<32768xf32, #tpu.memory_space<vmem>> -> memref<16384xf32, #tpu.memory_space<vmem>>
        tpu.wait_dma2 semaphore(%arg7 : memref<!tpu.dma_semaphore, #tpu.memory_space<semaphore_mem>>) src(%dma_wait3A_182 : memref<16384xf32, #tpu.memory_space<vmem>>) dst(%dma_wait3A_180 : memref<16384xf32, #tpu.memory_space<hbm>>)
        %dma_wait3A_183 = arith.constant 16384 : i32
        %dma_wait3A_184 = tpu.memref_slice %arg5[%dma_wait3A_183] : memref<32768xf32, #tpu.memory_space<vmem>> -> memref<16384xf32, #tpu.memory_space<vmem>>
        %dma_wait3A_185 = tpu.memref_slice %arg3[%mul3A_176] : memref<8388608xf32, #tpu.memory_space<hbm>> -> memref<16384xf32, #tpu.memory_space<hbm>>
        %dma_wait3A_186 = tpu.memref_slice %arg3[%mul3A_176] : memref<8388608xf32, #tpu.memory_space<hbm>> -> memref<16384xf32, #tpu.memory_space<hbm>>
        %dma_wait3A_187 = arith.constant 16384 : i32
        %dma_wait3A_188 = tpu.memref_slice %arg5[%dma_wait3A_187] : memref<32768xf32, #tpu.memory_space<vmem>> -> memref<16384xf32, #tpu.memory_space<vmem>>
        tpu.wait_dma2 semaphore(%arg7 : memref<!tpu.dma_semaphore, #tpu.memory_space<semaphore_mem>>) src(%dma_wait3A_188 : memref<16384xf32, #tpu.memory_space<vmem>>) dst(%dma_wait3A_186 : memref<16384xf32, #tpu.memory_space<hbm>>)
        %sub3A_189 = arith.constant 2 : i32
        %sub3A_190 = arith.subi %add3A_84, %sub3A_189 : i32
        %scan3A_191 = arith.constant 0 : i32
        %scan3A_192 = arith.constant 0 : i32
        %scan3A_193 = arith.constant 128 : i32
        %scan3A_194 = arith.addi %scan3A_192, %scan3A_193 : i32
        %scan3A_195 = arith.constant 1 : i32
        %scan3A_196 = scf.for %scan3A_198 = %scan3A_192 to %scan3A_194 step %scan3A_195 iter_args(%scan3A_199 = %scan3A_191) -> (i32)  : i32 {
          %jit3A = arith.constant 16 : i32
          %div3A = arith.divsi %scan3A_198, %jit3A : i32
          %sign3A = arith.constant 0 : i32
          %sign3A_200 = arith.cmpi sgt, %scan3A_198, %sign3A : i32
          %sign3A_201 = arith.extui %sign3A_200 : i1 to i32
          %sign3A_202 = arith.constant 0 : i32
          %sign3A_203 = arith.cmpi slt, %scan3A_198, %sign3A_202 : i32
          %sign3A_204 = arith.extui %sign3A_203 : i1 to i32
          %sign3A_205 = arith.subi %sign3A_201, %sign3A_204 : i32
          %sign3A_206 = arith.constant 0 : i32
          %sign3A_207 = arith.cmpi sgt, %jit3A, %sign3A_206 : i32
          %sign3A_208 = arith.extui %sign3A_207 : i1 to i32
          %sign3A_209 = arith.constant 0 : i32
          %sign3A_210 = arith.cmpi slt, %jit3A, %sign3A_209 : i32
          %sign3A_211 = arith.extui %sign3A_210 : i1 to i32
          %sign3A_212 = arith.subi %sign3A_208, %sign3A_211 : i32
          %ne3A = arith.cmpi ne, %sign3A_205, %sign3A_212 : i32
          %rem3A = arith.remsi %scan3A_198, %jit3A : i32
          %ne3A_213 = arith.constant 0 : i32
          %ne3A_214 = arith.cmpi ne, %rem3A, %ne3A_213 : i32
          %and3A = arith.andi %ne3A, %ne3A_214 : i1
          %sub3A_215 = arith.constant 1 : i32
          %sub3A_216 = arith.subi %div3A, %sub3A_215 : i32
          %select_n3A = arith.select %and3A, %sub3A_216, %div3A : i32
          %jit3A_217 = arith.constant 8 : i32
          %div3A_218 = arith.divsi %scan3A_198, %jit3A_217 : i32
          %sign3A_219 = arith.constant 0 : i32
          %sign3A_220 = arith.cmpi sgt, %scan3A_198, %sign3A_219 : i32
          %sign3A_221 = arith.extui %sign3A_220 : i1 to i32
          %sign3A_222 = arith.constant 0 : i32
          %sign3A_223 = arith.cmpi slt, %scan3A_198, %sign3A_222 : i32
          %sign3A_224 = arith.extui %sign3A_223 : i1 to i32
          %sign3A_225 = arith.subi %sign3A_221, %sign3A_224 : i32
          %sign3A_226 = arith.constant 0 : i32
          %sign3A_227 = arith.cmpi sgt, %jit3A_217, %sign3A_226 : i32
          %sign3A_228 = arith.extui %sign3A_227 : i1 to i32
          %sign3A_229 = arith.constant 0 : i32
          %sign3A_230 = arith.cmpi slt, %jit3A_217, %sign3A_229 : i32
          %sign3A_231 = arith.extui %sign3A_230 : i1 to i32
          %sign3A_232 = arith.subi %sign3A_228, %sign3A_231 : i32
          %ne3A_233 = arith.cmpi ne, %sign3A_225, %sign3A_232 : i32
          %rem3A_234 = arith.remsi %scan3A_198, %jit3A_217 : i32
          %ne3A_235 = arith.constant 0 : i32
          %ne3A_236 = arith.cmpi ne, %rem3A_234, %ne3A_235 : i32
          %and3A_237 = arith.andi %ne3A_233, %ne3A_236 : i1
          %sub3A_238 = arith.constant 1 : i32
          %sub3A_239 = arith.subi %div3A_218, %sub3A_238 : i32
          %select_n3A_240 = arith.select %and3A_237, %sub3A_239, %div3A_218 : i32
          %jit3A_241 = arith.constant 2 : i32
          %eq3A = arith.constant 0 : i32
          %eq3A_242 = arith.cmpi eq, %jit3A_241, %eq3A : i32
          %jit3A_243 = arith.constant 1 : i32
          %select_n3A_244 = arith.select %eq3A_242, %jit3A_243, %jit3A_241 : i32
          %rem3A_245 = arith.remsi %select_n3A_240, %select_n3A_244 : i32
          %ne3A_246 = arith.constant 0 : i32
          %ne3A_247 = arith.cmpi ne, %rem3A_245, %ne3A_246 : i32
          %lt3A = arith.constant 0 : i32
          %lt3A_248 = arith.cmpi slt, %rem3A_245, %lt3A : i32
          %lt3A_249 = arith.constant 0 : i32
          %lt3A_250 = arith.cmpi slt, %select_n3A_244, %lt3A_249 : i32
          %ne3A_251 = arith.xori %lt3A_248, %lt3A_250 : i1
          %and3A_252 = arith.andi %ne3A_251, %ne3A_247 : i1
          %add3A_253 = arith.addi %rem3A_245, %select_n3A_244 : i32
          %select_n3A_254 = arith.select %and3A_252, %add3A_253, %rem3A_245 : i32
          %mul3A_255 = arith.constant 8 : i32
          %mul3A_256 = arith.muli %select_n3A_254, %mul3A_255 : i32
          %add3A_257 = arith.addi %mul3A_256, %select_n3A : i32
          %mul3A_258 = arith.constant 2048 : i32
          %mul3A_259 = arith.muli %add3A_257, %mul3A_258 : i32
          %mul3A_260 = arith.constant 8 : i32
          %mul3A_261 = arith.muli %sub3A_190, %mul3A_260 : i32
          %mul3A_262 = arith.constant 2 : i32
          %mul3A_263 = arith.muli %mul3A_261, %mul3A_262 : i32
          %mul3A_264 = arith.constant 128 : i32
          %mul3A_265 = arith.muli %mul3A_263, %mul3A_264 : i32
          %mul3A_266 = arith.constant 16 : i32
          %mul3A_267 = arith.muli %scan3A_198, %mul3A_266 : i32
          %add3A_268 = arith.addi %mul3A_265, %mul3A_267 : i32
          %get3A = arith.index_cast %add3A_268 : i32 to index
          %get3A_269 = tpu.vector_load %arg4[%get3A] {strides = array<i32>} : memref<16384xi32, #tpu.memory_space<vmem>>, vector<16xi32>,
          %add3A_270 = vector.broadcast %mul3A_259 : i32 to vector<16xi32>
          %add3A_271 = arith.addi %get3A_269, %add3A_270 : vector<16xi32>
          tpu.vector_store_idx %arg5[%add3A_271], %neg3A_24 {add = true} : memref<32768xf32, #tpu.memory_space<vmem>>[vector<16xi32>], vector<16xf32>,
          %scan3A_272 = arith.constant 0 : i32
          scf.yield %scan3A_272 : i32
        }
        %scan3A_197 = arith.constant 128 : i32
      } else {
      }
      %scan3A_87 = arith.constant 0 : i32
      %scan3A_88 = arith.constant 0 : i32
      %scan3A_89 = arith.constant 128 : i32
      %scan3A_90 = arith.addi %scan3A_88, %scan3A_89 : i32
      %scan3A_91 = arith.constant 1 : i32
      %scan3A_92 = scf.for %scan3A_162 = %scan3A_88 to %scan3A_90 step %scan3A_91 iter_args(%scan3A_163 = %scan3A_87) -> (i32)  : i32 {
        %jit3A = arith.constant 16 : i32
        %div3A = arith.divsi %scan3A_162, %jit3A : i32
        %sign3A = arith.constant 0 : i32
        %sign3A_164 = arith.cmpi sgt, %scan3A_162, %sign3A : i32
        %sign3A_165 = arith.extui %sign3A_164 : i1 to i32
        %sign3A_166 = arith.constant 0 : i32
        %sign3A_167 = arith.cmpi slt, %scan3A_162, %sign3A_166 : i32
        %sign3A_168 = arith.extui %sign3A_167 : i1 to i32
        %sign3A_169 = arith.subi %sign3A_165, %sign3A_168 : i32
        %sign3A_170 = arith.constant 0 : i32
        %sign3A_171 = arith.cmpi sgt, %jit3A, %sign3A_170 : i32
        %sign3A_172 = arith.extui %sign3A_171 : i1 to i32
        %sign3A_173 = arith.constant 0 : i32
        %sign3A_174 = arith.cmpi slt, %jit3A, %sign3A_173 : i32
        %sign3A_175 = arith.extui %sign3A_174 : i1 to i32
        %sign3A_176 = arith.subi %sign3A_172, %sign3A_175 : i32
        %ne3A = arith.cmpi ne, %sign3A_169, %sign3A_176 : i32
        %rem3A = arith.remsi %scan3A_162, %jit3A : i32
        %ne3A_177 = arith.constant 0 : i32
        %ne3A_178 = arith.cmpi ne, %rem3A, %ne3A_177 : i32
        %and3A = arith.andi %ne3A, %ne3A_178 : i1
        %sub3A = arith.constant 1 : i32
        %sub3A_179 = arith.subi %div3A, %sub3A : i32
        %select_n3A = arith.select %and3A, %sub3A_179, %div3A : i32
        %jit3A_180 = arith.constant 8 : i32
        %div3A_181 = arith.divsi %scan3A_162, %jit3A_180 : i32
        %sign3A_182 = arith.constant 0 : i32
        %sign3A_183 = arith.cmpi sgt, %scan3A_162, %sign3A_182 : i32
        %sign3A_184 = arith.extui %sign3A_183 : i1 to i32
        %sign3A_185 = arith.constant 0 : i32
        %sign3A_186 = arith.cmpi slt, %scan3A_162, %sign3A_185 : i32
        %sign3A_187 = arith.extui %sign3A_186 : i1 to i32
        %sign3A_188 = arith.subi %sign3A_184, %sign3A_187 : i32
        %sign3A_189 = arith.constant 0 : i32
        %sign3A_190 = arith.cmpi sgt, %jit3A_180, %sign3A_189 : i32
        %sign3A_191 = arith.extui %sign3A_190 : i1 to i32
        %sign3A_192 = arith.constant 0 : i32
        %sign3A_193 = arith.cmpi slt, %jit3A_180, %sign3A_192 : i32
        %sign3A_194 = arith.extui %sign3A_193 : i1 to i32
        %sign3A_195 = arith.subi %sign3A_191, %sign3A_194 : i32
        %ne3A_196 = arith.cmpi ne, %sign3A_188, %sign3A_195 : i32
        %rem3A_197 = arith.remsi %scan3A_162, %jit3A_180 : i32
        %ne3A_198 = arith.constant 0 : i32
        %ne3A_199 = arith.cmpi ne, %rem3A_197, %ne3A_198 : i32
        %and3A_200 = arith.andi %ne3A_196, %ne3A_199 : i1
        %sub3A_201 = arith.constant 1 : i32
        %sub3A_202 = arith.subi %div3A_181, %sub3A_201 : i32
        %select_n3A_203 = arith.select %and3A_200, %sub3A_202, %div3A_181 : i32
        %jit3A_204 = arith.constant 2 : i32
        %eq3A = arith.constant 0 : i32
        %eq3A_205 = arith.cmpi eq, %jit3A_204, %eq3A : i32
        %jit3A_206 = arith.constant 1 : i32
        %select_n3A_207 = arith.select %eq3A_205, %jit3A_206, %jit3A_204 : i32
        %rem3A_208 = arith.remsi %select_n3A_203, %select_n3A_207 : i32
        %ne3A_209 = arith.constant 0 : i32
        %ne3A_210 = arith.cmpi ne, %rem3A_208, %ne3A_209 : i32
        %lt3A = arith.constant 0 : i32
        %lt3A_211 = arith.cmpi slt, %rem3A_208, %lt3A : i32
        %lt3A_212 = arith.constant 0 : i32
        %lt3A_213 = arith.cmpi slt, %select_n3A_207, %lt3A_212 : i32
        %ne3A_214 = arith.xori %lt3A_211, %lt3A_213 : i1
        %and3A_215 = arith.andi %ne3A_214, %ne3A_210 : i1
        %add3A_216 = arith.addi %rem3A_208, %select_n3A_207 : i32
        %select_n3A_217 = arith.select %and3A_215, %add3A_216, %rem3A_208 : i32
        %mul3A_218 = arith.constant 8 : i32
        %mul3A_219 = arith.muli %select_n3A_217, %mul3A_218 : i32
        %add3A_220 = arith.addi %mul3A_219, %select_n3A : i32
        %mul3A_221 = arith.constant 2048 : i32
        %mul3A_222 = arith.muli %add3A_220, %mul3A_221 : i32
        %mul3A_223 = arith.constant 8 : i32
        %mul3A_224 = arith.muli %add3A_84, %mul3A_223 : i32
        %mul3A_225 = arith.constant 2 : i32
        %mul3A_226 = arith.muli %mul3A_224, %mul3A_225 : i32
        %mul3A_227 = arith.constant 128 : i32
        %mul3A_228 = arith.muli %mul3A_226, %mul3A_227 : i32
        %mul3A_229 = arith.constant 16 : i32
        %mul3A_230 = arith.muli %scan3A_162, %mul3A_229 : i32
        %add3A_231 = arith.addi %mul3A_228, %mul3A_230 : i32
        %get3A = arith.index_cast %add3A_231 : i32 to index
        %get3A_232 = tpu.vector_load %arg4[%get3A] {strides = array<i32>} : memref<16384xi32, #tpu.memory_space<vmem>>, vector<16xi32>,
        %add3A_233 = vector.broadcast %mul3A_222 : i32 to vector<16xi32>
        %add3A_234 = arith.addi %get3A_232, %add3A_233 : vector<16xi32>
        tpu.vector_store_idx %arg5[%add3A_234], %broadcast_in_dim3A_22 {add = true} : memref<32768xf32, #tpu.memory_space<vmem>>[vector<16xi32>], vector<16xf32>,
        %scan3A_235 = arith.constant 0 : i32
        scf.yield %scan3A_235 : i32
      }
      %scan3A_93 = arith.constant 128 : i32
      %add3A_94 = arith.constant 0 : i32
      %add3A_95 = arith.addi %add3A_94, %mul3A_2 : i32
      %mul3A_96 = arith.constant 8 : i32
      %mul3A_97 = arith.muli %add3A_84, %mul3A_96 : i32
      %add3A_98 = arith.addi %add3A_95, %mul3A_97 : i32
      %mul3A_99 = arith.constant 2048 : i32
      %mul3A_100 = arith.muli %add3A_98, %mul3A_99 : i32
      %add3A_101 = arith.constant 2048 : i32
      %add3A_102 = arith.addi %add3A_101, %mul3A_2 : i32
      %mul3A_103 = arith.constant 8 : i32
      %mul3A_104 = arith.muli %add3A_84, %mul3A_103 : i32
      %add3A_105 = arith.addi %add3A_102, %mul3A_104 : i32
      %mul3A_106 = arith.constant 2048 : i32
      %mul3A_107 = arith.muli %add3A_105, %mul3A_106 : i32
      %dma_start3A = arith.constant 0 : i32
      %dma_start3A_108 = tpu.memref_slice %arg5[%dma_start3A] : memref<32768xf32, #tpu.memory_space<vmem>> -> memref<16384xf32, #tpu.memory_space<vmem>>
      %dma_start3A_109 = tpu.memref_slice %arg3[%mul3A_100] : memref<8388608xf32, #tpu.memory_space<hbm>> -> memref<16384xf32, #tpu.memory_space<hbm>>
      %dma_start3A_110 = tpu.memref_slice %arg3[%mul3A_100] : memref<8388608xf32, #tpu.memory_space<hbm>> -> memref<16384xf32, #tpu.memory_space<hbm>>
      %dma_start3A_111 = arith.constant 0 : i32
      %dma_start3A_112 = tpu.memref_slice %arg5[%dma_start3A_111] : memref<32768xf32, #tpu.memory_space<vmem>> -> memref<16384xf32, #tpu.memory_space<vmem>>
      tpu.enqueue_dma source(%dma_start3A_112 : memref<16384xf32, #tpu.memory_space<vmem>>) target(%dma_start3A_110 : memref<16384xf32, #tpu.memory_space<hbm>>) target_semaphore(%arg7 : memref<!tpu.dma_semaphore, #tpu.memory_space<semaphore_mem>>)
      %dma_start3A_113 = arith.constant 16384 : i32
      %dma_start3A_114 = tpu.memref_slice %arg5[%dma_start3A_113] : memref<32768xf32, #tpu.memory_space<vmem>> -> memref<16384xf32, #tpu.memory_space<vmem>>
      %dma_start3A_115 = tpu.memref_slice %arg3[%mul3A_107] : memref<8388608xf32, #tpu.memory_space<hbm>> -> memref<16384xf32, #tpu.memory_space<hbm>>
      %dma_start3A_116 = tpu.memref_slice %arg3[%mul3A_107] : memref<8388608xf32, #tpu.memory_space<hbm>> -> memref<16384xf32, #tpu.memory_space<hbm>>
      %dma_start3A_117 = arith.constant 16384 : i32
      %dma_start3A_118 = tpu.memref_slice %arg5[%dma_start3A_117] : memref<32768xf32, #tpu.memory_space<vmem>> -> memref<16384xf32, #tpu.memory_space<vmem>>
      tpu.enqueue_dma source(%dma_start3A_118 : memref<16384xf32, #tpu.memory_space<vmem>>) target(%dma_start3A_116 : memref<16384xf32, #tpu.memory_space<hbm>>) target_semaphore(%arg7 : memref<!tpu.dma_semaphore, #tpu.memory_space<semaphore_mem>>)
      %mul3A_119 = arith.constant 2 : i32
      %mul3A_120 = arith.muli %scan3A_79, %mul3A_119 : i32
      %add3A_121 = arith.constant 1 : i32
      %add3A_122 = arith.addi %mul3A_120, %add3A_121 : i32
      %ge3A_123 = arith.constant 2 : i32
      %ge3A_124 = arith.cmpi sge, %add3A_122, %ge3A_123 : i32
      %convert_element_type3A_125 = arith.extui %ge3A_124 : i1 to i32
      %cond3A_126 = arith.constant 0 : i32
      %cond3A_127 = arith.cmpi ne, %convert_element_type3A_125, %cond3A_126 : i32
      scf.if %cond3A_127 {
        %sub3A = arith.constant 2 : i32
        %sub3A_162 = arith.subi %add3A_122, %sub3A : i32
        %add3A_163 = arith.constant 0 : i32
        %add3A_164 = arith.addi %add3A_163, %mul3A_2 : i32
        %mul3A_165 = arith.constant 8 : i32
        %mul3A_166 = arith.muli %sub3A_162, %mul3A_165 : i32
        %add3A_167 = arith.addi %add3A_164, %mul3A_166 : i32
        %mul3A_168 = arith.constant 2048 : i32
        %mul3A_169 = arith.muli %add3A_167, %mul3A_168 : i32
        %add3A_170 = arith.constant 2048 : i32
        %add3A_171 = arith.addi %add3A_170, %mul3A_2 : i32
        %mul3A_172 = arith.constant 8 : i32
        %mul3A_173 = arith.muli %sub3A_162, %mul3A_172 : i32
        %add3A_174 = arith.addi %add3A_171, %mul3A_173 : i32
        %mul3A_175 = arith.constant 2048 : i32
        %mul3A_176 = arith.muli %add3A_174, %mul3A_175 : i32
        %dma_wait3A_177 = arith.constant 0 : i32
        %dma_wait3A_178 = tpu.memref_slice %arg6[%dma_wait3A_177] : memref<32768xf32, #tpu.memory_space<vmem>> -> memref<16384xf32, #tpu.memory_space<vmem>>
        %dma_wait3A_179 = tpu.memref_slice %arg3[%mul3A_169] : memref<8388608xf32, #tpu.memory_space<hbm>> -> memref<16384xf32, #tpu.memory_space<hbm>>
        %dma_wait3A_180 = tpu.memref_slice %arg3[%mul3A_169] : memref<8388608xf32, #tpu.memory_space<hbm>> -> memref<16384xf32, #tpu.memory_space<hbm>>
        %dma_wait3A_181 = arith.constant 0 : i32
        %dma_wait3A_182 = tpu.memref_slice %arg6[%dma_wait3A_181] : memref<32768xf32, #tpu.memory_space<vmem>> -> memref<16384xf32, #tpu.memory_space<vmem>>
        tpu.wait_dma2 semaphore(%arg8 : memref<!tpu.dma_semaphore, #tpu.memory_space<semaphore_mem>>) src(%dma_wait3A_182 : memref<16384xf32, #tpu.memory_space<vmem>>) dst(%dma_wait3A_180 : memref<16384xf32, #tpu.memory_space<hbm>>)
        %dma_wait3A_183 = arith.constant 16384 : i32
        %dma_wait3A_184 = tpu.memref_slice %arg6[%dma_wait3A_183] : memref<32768xf32, #tpu.memory_space<vmem>> -> memref<16384xf32, #tpu.memory_space<vmem>>
        %dma_wait3A_185 = tpu.memref_slice %arg3[%mul3A_176] : memref<8388608xf32, #tpu.memory_space<hbm>> -> memref<16384xf32, #tpu.memory_space<hbm>>
        %dma_wait3A_186 = tpu.memref_slice %arg3[%mul3A_176] : memref<8388608xf32, #tpu.memory_space<hbm>> -> memref<16384xf32, #tpu.memory_space<hbm>>
        %dma_wait3A_187 = arith.constant 16384 : i32
        %dma_wait3A_188 = tpu.memref_slice %arg6[%dma_wait3A_187] : memref<32768xf32, #tpu.memory_space<vmem>> -> memref<16384xf32, #tpu.memory_space<vmem>>
        tpu.wait_dma2 semaphore(%arg8 : memref<!tpu.dma_semaphore, #tpu.memory_space<semaphore_mem>>) src(%dma_wait3A_188 : memref<16384xf32, #tpu.memory_space<vmem>>) dst(%dma_wait3A_186 : memref<16384xf32, #tpu.memory_space<hbm>>)
        %sub3A_189 = arith.constant 2 : i32
        %sub3A_190 = arith.subi %add3A_122, %sub3A_189 : i32
        %scan3A_191 = arith.constant 0 : i32
        %scan3A_192 = arith.constant 0 : i32
        %scan3A_193 = arith.constant 128 : i32
        %scan3A_194 = arith.addi %scan3A_192, %scan3A_193 : i32
        %scan3A_195 = arith.constant 1 : i32
        %scan3A_196 = scf.for %scan3A_198 = %scan3A_192 to %scan3A_194 step %scan3A_195 iter_args(%scan3A_199 = %scan3A_191) -> (i32)  : i32 {
          %jit3A = arith.constant 16 : i32
          %div3A = arith.divsi %scan3A_198, %jit3A : i32
          %sign3A = arith.constant 0 : i32
          %sign3A_200 = arith.cmpi sgt, %scan3A_198, %sign3A : i32
          %sign3A_201 = arith.extui %sign3A_200 : i1 to i32
          %sign3A_202 = arith.constant 0 : i32
          %sign3A_203 = arith.cmpi slt, %scan3A_198, %sign3A_202 : i32
          %sign3A_204 = arith.extui %sign3A_203 : i1 to i32
          %sign3A_205 = arith.subi %sign3A_201, %sign3A_204 : i32
          %sign3A_206 = arith.constant 0 : i32
          %sign3A_207 = arith.cmpi sgt, %jit3A, %sign3A_206 : i32
          %sign3A_208 = arith.extui %sign3A_207 : i1 to i32
          %sign3A_209 = arith.constant 0 : i32
          %sign3A_210 = arith.cmpi slt, %jit3A, %sign3A_209 : i32
          %sign3A_211 = arith.extui %sign3A_210 : i1 to i32
          %sign3A_212 = arith.subi %sign3A_208, %sign3A_211 : i32
          %ne3A = arith.cmpi ne, %sign3A_205, %sign3A_212 : i32
          %rem3A = arith.remsi %scan3A_198, %jit3A : i32
          %ne3A_213 = arith.constant 0 : i32
          %ne3A_214 = arith.cmpi ne, %rem3A, %ne3A_213 : i32
          %and3A = arith.andi %ne3A, %ne3A_214 : i1
          %sub3A_215 = arith.constant 1 : i32
          %sub3A_216 = arith.subi %div3A, %sub3A_215 : i32
          %select_n3A = arith.select %and3A, %sub3A_216, %div3A : i32
          %jit3A_217 = arith.constant 8 : i32
          %div3A_218 = arith.divsi %scan3A_198, %jit3A_217 : i32
          %sign3A_219 = arith.constant 0 : i32
          %sign3A_220 = arith.cmpi sgt, %scan3A_198, %sign3A_219 : i32
          %sign3A_221 = arith.extui %sign3A_220 : i1 to i32
          %sign3A_222 = arith.constant 0 : i32
          %sign3A_223 = arith.cmpi slt, %scan3A_198, %sign3A_222 : i32
          %sign3A_224 = arith.extui %sign3A_223 : i1 to i32
          %sign3A_225 = arith.subi %sign3A_221, %sign3A_224 : i32
          %sign3A_226 = arith.constant 0 : i32
          %sign3A_227 = arith.cmpi sgt, %jit3A_217, %sign3A_226 : i32
          %sign3A_228 = arith.extui %sign3A_227 : i1 to i32
          %sign3A_229 = arith.constant 0 : i32
          %sign3A_230 = arith.cmpi slt, %jit3A_217, %sign3A_229 : i32
          %sign3A_231 = arith.extui %sign3A_230 : i1 to i32
          %sign3A_232 = arith.subi %sign3A_228, %sign3A_231 : i32
          %ne3A_233 = arith.cmpi ne, %sign3A_225, %sign3A_232 : i32
          %rem3A_234 = arith.remsi %scan3A_198, %jit3A_217 : i32
          %ne3A_235 = arith.constant 0 : i32
          %ne3A_236 = arith.cmpi ne, %rem3A_234, %ne3A_235 : i32
          %and3A_237 = arith.andi %ne3A_233, %ne3A_236 : i1
          %sub3A_238 = arith.constant 1 : i32
          %sub3A_239 = arith.subi %div3A_218, %sub3A_238 : i32
          %select_n3A_240 = arith.select %and3A_237, %sub3A_239, %div3A_218 : i32
          %jit3A_241 = arith.constant 2 : i32
          %eq3A = arith.constant 0 : i32
          %eq3A_242 = arith.cmpi eq, %jit3A_241, %eq3A : i32
          %jit3A_243 = arith.constant 1 : i32
          %select_n3A_244 = arith.select %eq3A_242, %jit3A_243, %jit3A_241 : i32
          %rem3A_245 = arith.remsi %select_n3A_240, %select_n3A_244 : i32
          %ne3A_246 = arith.constant 0 : i32
          %ne3A_247 = arith.cmpi ne, %rem3A_245, %ne3A_246 : i32
          %lt3A = arith.constant 0 : i32
          %lt3A_248 = arith.cmpi slt, %rem3A_245, %lt3A : i32
          %lt3A_249 = arith.constant 0 : i32
          %lt3A_250 = arith.cmpi slt, %select_n3A_244, %lt3A_249 : i32
          %ne3A_251 = arith.xori %lt3A_248, %lt3A_250 : i1
          %and3A_252 = arith.andi %ne3A_251, %ne3A_247 : i1
          %add3A_253 = arith.addi %rem3A_245, %select_n3A_244 : i32
          %select_n3A_254 = arith.select %and3A_252, %add3A_253, %rem3A_245 : i32
          %mul3A_255 = arith.constant 8 : i32
          %mul3A_256 = arith.muli %select_n3A_254, %mul3A_255 : i32
          %add3A_257 = arith.addi %mul3A_256, %select_n3A : i32
          %mul3A_258 = arith.constant 2048 : i32
          %mul3A_259 = arith.muli %add3A_257, %mul3A_258 : i32
          %mul3A_260 = arith.constant 8 : i32
          %mul3A_261 = arith.muli %sub3A_190, %mul3A_260 : i32
          %mul3A_262 = arith.constant 2 : i32
          %mul3A_263 = arith.muli %mul3A_261, %mul3A_262 : i32
          %mul3A_264 = arith.constant 128 : i32
          %mul3A_265 = arith.muli %mul3A_263, %mul3A_264 : i32
          %mul3A_266 = arith.constant 16 : i32
          %mul3A_267 = arith.muli %scan3A_198, %mul3A_266 : i32
          %add3A_268 = arith.addi %mul3A_265, %mul3A_267 : i32
          %get3A = arith.index_cast %add3A_268 : i32 to index
          %get3A_269 = tpu.vector_load %arg4[%get3A] {strides = array<i32>} : memref<16384xi32, #tpu.memory_space<vmem>>, vector<16xi32>,
          %add3A_270 = vector.broadcast %mul3A_259 : i32 to vector<16xi32>
          %add3A_271 = arith.addi %get3A_269, %add3A_270 : vector<16xi32>
          tpu.vector_store_idx %arg6[%add3A_271], %neg3A_24 {add = true} : memref<32768xf32, #tpu.memory_space<vmem>>[vector<16xi32>], vector<16xf32>,
          %scan3A_272 = arith.constant 0 : i32
          scf.yield %scan3A_272 : i32
        }
        %scan3A_197 = arith.constant 128 : i32
      } else {
      }
      %scan3A_128 = arith.constant 0 : i32
      %scan3A_129 = arith.constant 0 : i32
      %scan3A_130 = arith.constant 128 : i32
      %scan3A_131 = arith.addi %scan3A_129, %scan3A_130 : i32
      %scan3A_132 = arith.constant 1 : i32
      %scan3A_133 = scf.for %scan3A_162 = %scan3A_129 to %scan3A_131 step %scan3A_132 iter_args(%scan3A_163 = %scan3A_128) -> (i32)  : i32 {
        %jit3A = arith.constant 16 : i32
        %div3A = arith.divsi %scan3A_162, %jit3A : i32
        %sign3A = arith.constant 0 : i32
        %sign3A_164 = arith.cmpi sgt, %scan3A_162, %sign3A : i32
        %sign3A_165 = arith.extui %sign3A_164 : i1 to i32
        %sign3A_166 = arith.constant 0 : i32
        %sign3A_167 = arith.cmpi slt, %scan3A_162, %sign3A_166 : i32
        %sign3A_168 = arith.extui %sign3A_167 : i1 to i32
        %sign3A_169 = arith.subi %sign3A_165, %sign3A_168 : i32
        %sign3A_170 = arith.constant 0 : i32
        %sign3A_171 = arith.cmpi sgt, %jit3A, %sign3A_170 : i32
        %sign3A_172 = arith.extui %sign3A_171 : i1 to i32
        %sign3A_173 = arith.constant 0 : i32
        %sign3A_174 = arith.cmpi slt, %jit3A, %sign3A_173 : i32
        %sign3A_175 = arith.extui %sign3A_174 : i1 to i32
        %sign3A_176 = arith.subi %sign3A_172, %sign3A_175 : i32
        %ne3A = arith.cmpi ne, %sign3A_169, %sign3A_176 : i32
        %rem3A = arith.remsi %scan3A_162, %jit3A : i32
        %ne3A_177 = arith.constant 0 : i32
        %ne3A_178 = arith.cmpi ne, %rem3A, %ne3A_177 : i32
        %and3A = arith.andi %ne3A, %ne3A_178 : i1
        %sub3A = arith.constant 1 : i32
        %sub3A_179 = arith.subi %div3A, %sub3A : i32
        %select_n3A = arith.select %and3A, %sub3A_179, %div3A : i32
        %jit3A_180 = arith.constant 8 : i32
        %div3A_181 = arith.divsi %scan3A_162, %jit3A_180 : i32
        %sign3A_182 = arith.constant 0 : i32
        %sign3A_183 = arith.cmpi sgt, %scan3A_162, %sign3A_182 : i32
        %sign3A_184 = arith.extui %sign3A_183 : i1 to i32
        %sign3A_185 = arith.constant 0 : i32
        %sign3A_186 = arith.cmpi slt, %scan3A_162, %sign3A_185 : i32
        %sign3A_187 = arith.extui %sign3A_186 : i1 to i32
        %sign3A_188 = arith.subi %sign3A_184, %sign3A_187 : i32
        %sign3A_189 = arith.constant 0 : i32
        %sign3A_190 = arith.cmpi sgt, %jit3A_180, %sign3A_189 : i32
        %sign3A_191 = arith.extui %sign3A_190 : i1 to i32
        %sign3A_192 = arith.constant 0 : i32
        %sign3A_193 = arith.cmpi slt, %jit3A_180, %sign3A_192 : i32
        %sign3A_194 = arith.extui %sign3A_193 : i1 to i32
        %sign3A_195 = arith.subi %sign3A_191, %sign3A_194 : i32
        %ne3A_196 = arith.cmpi ne, %sign3A_188, %sign3A_195 : i32
        %rem3A_197 = arith.remsi %scan3A_162, %jit3A_180 : i32
        %ne3A_198 = arith.constant 0 : i32
        %ne3A_199 = arith.cmpi ne, %rem3A_197, %ne3A_198 : i32
        %and3A_200 = arith.andi %ne3A_196, %ne3A_199 : i1
        %sub3A_201 = arith.constant 1 : i32
        %sub3A_202 = arith.subi %div3A_181, %sub3A_201 : i32
        %select_n3A_203 = arith.select %and3A_200, %sub3A_202, %div3A_181 : i32
        %jit3A_204 = arith.constant 2 : i32
        %eq3A = arith.constant 0 : i32
        %eq3A_205 = arith.cmpi eq, %jit3A_204, %eq3A : i32
        %jit3A_206 = arith.constant 1 : i32
        %select_n3A_207 = arith.select %eq3A_205, %jit3A_206, %jit3A_204 : i32
        %rem3A_208 = arith.remsi %select_n3A_203, %select_n3A_207 : i32
        %ne3A_209 = arith.constant 0 : i32
        %ne3A_210 = arith.cmpi ne, %rem3A_208, %ne3A_209 : i32
        %lt3A = arith.constant 0 : i32
        %lt3A_211 = arith.cmpi slt, %rem3A_208, %lt3A : i32
        %lt3A_212 = arith.constant 0 : i32
        %lt3A_213 = arith.cmpi slt, %select_n3A_207, %lt3A_212 : i32
        %ne3A_214 = arith.xori %lt3A_211, %lt3A_213 : i1
        %and3A_215 = arith.andi %ne3A_214, %ne3A_210 : i1
        %add3A_216 = arith.addi %rem3A_208, %select_n3A_207 : i32
        %select_n3A_217 = arith.select %and3A_215, %add3A_216, %rem3A_208 : i32
        %mul3A_218 = arith.constant 8 : i32
        %mul3A_219 = arith.muli %select_n3A_217, %mul3A_218 : i32
        %add3A_220 = arith.addi %mul3A_219, %select_n3A : i32
        %mul3A_221 = arith.constant 2048 : i32
        %mul3A_222 = arith.muli %add3A_220, %mul3A_221 : i32
        %mul3A_223 = arith.constant 8 : i32
        %mul3A_224 = arith.muli %add3A_122, %mul3A_223 : i32
        %mul3A_225 = arith.constant 2 : i32
        %mul3A_226 = arith.muli %mul3A_224, %mul3A_225 : i32
        %mul3A_227 = arith.constant 128 : i32
        %mul3A_228 = arith.muli %mul3A_226, %mul3A_227 : i32
        %mul3A_229 = arith.constant 16 : i32
        %mul3A_230 = arith.muli %scan3A_162, %mul3A_229 : i32
        %add3A_231 = arith.addi %mul3A_228, %mul3A_230 : i32
        %get3A = arith.index_cast %add3A_231 : i32 to index
        %get3A_232 = tpu.vector_load %arg4[%get3A] {strides = array<i32>} : memref<16384xi32, #tpu.memory_space<vmem>>, vector<16xi32>,
        %add3A_233 = vector.broadcast %mul3A_222 : i32 to vector<16xi32>
        %add3A_234 = arith.addi %get3A_232, %add3A_233 : vector<16xi32>
        tpu.vector_store_idx %arg6[%add3A_234], %broadcast_in_dim3A_22 {add = true} : memref<32768xf32, #tpu.memory_space<vmem>>[vector<16xi32>], vector<16xf32>,
        %scan3A_235 = arith.constant 0 : i32
        scf.yield %scan3A_235 : i32
      }
      %scan3A_134 = arith.constant 128 : i32
      %add3A_135 = arith.constant 0 : i32
      %add3A_136 = arith.addi %add3A_135, %mul3A_2 : i32
      %mul3A_137 = arith.constant 8 : i32
      %mul3A_138 = arith.muli %add3A_122, %mul3A_137 : i32
      %add3A_139 = arith.addi %add3A_136, %mul3A_138 : i32
      %mul3A_140 = arith.constant 2048 : i32
      %mul3A_141 = arith.muli %add3A_139, %mul3A_140 : i32
      %add3A_142 = arith.constant 2048 : i32
      %add3A_143 = arith.addi %add3A_142, %mul3A_2 : i32
      %mul3A_144 = arith.constant 8 : i32
      %mul3A_145 = arith.muli %add3A_122, %mul3A_144 : i32
      %add3A_146 = arith.addi %add3A_143, %mul3A_145 : i32
      %mul3A_147 = arith.constant 2048 : i32
      %mul3A_148 = arith.muli %add3A_146, %mul3A_147 : i32
      %dma_start3A_149 = arith.constant 0 : i32
      %dma_start3A_150 = tpu.memref_slice %arg6[%dma_start3A_149] : memref<32768xf32, #tpu.memory_space<vmem>> -> memref<16384xf32, #tpu.memory_space<vmem>>
      %dma_start3A_151 = tpu.memref_slice %arg3[%mul3A_141] : memref<8388608xf32, #tpu.memory_space<hbm>> -> memref<16384xf32, #tpu.memory_space<hbm>>
      %dma_start3A_152 = tpu.memref_slice %arg3[%mul3A_141] : memref<8388608xf32, #tpu.memory_space<hbm>> -> memref<16384xf32, #tpu.memory_space<hbm>>
      %dma_start3A_153 = arith.constant 0 : i32
      %dma_start3A_154 = tpu.memref_slice %arg6[%dma_start3A_153] : memref<32768xf32, #tpu.memory_space<vmem>> -> memref<16384xf32, #tpu.memory_space<vmem>>
      tpu.enqueue_dma source(%dma_start3A_154 : memref<16384xf32, #tpu.memory_space<vmem>>) target(%dma_start3A_152 : memref<16384xf32, #tpu.memory_space<hbm>>) target_semaphore(%arg8 : memref<!tpu.dma_semaphore, #tpu.memory_space<semaphore_mem>>)
      %dma_start3A_155 = arith.constant 16384 : i32
      %dma_start3A_156 = tpu.memref_slice %arg6[%dma_start3A_155] : memref<32768xf32, #tpu.memory_space<vmem>> -> memref<16384xf32, #tpu.memory_space<vmem>>
      %dma_start3A_157 = tpu.memref_slice %arg3[%mul3A_148] : memref<8388608xf32, #tpu.memory_space<hbm>> -> memref<16384xf32, #tpu.memory_space<hbm>>
      %dma_start3A_158 = tpu.memref_slice %arg3[%mul3A_148] : memref<8388608xf32, #tpu.memory_space<hbm>> -> memref<16384xf32, #tpu.memory_space<hbm>>
      %dma_start3A_159 = arith.constant 16384 : i32
      %dma_start3A_160 = tpu.memref_slice %arg6[%dma_start3A_159] : memref<32768xf32, #tpu.memory_space<vmem>> -> memref<16384xf32, #tpu.memory_space<vmem>>
      tpu.enqueue_dma source(%dma_start3A_160 : memref<16384xf32, #tpu.memory_space<vmem>>) target(%dma_start3A_158 : memref<16384xf32, #tpu.memory_space<hbm>>) target_semaphore(%arg8 : memref<!tpu.dma_semaphore, #tpu.memory_space<semaphore_mem>>)
      %scan3A_161 = arith.constant 0 : i32
      scf.yield %scan3A_161 : i32
    }
    %scan3A_31 = arith.constant 4 : i32
    %add3A_32 = arith.constant 0 : i32
    %add3A_33 = arith.addi %add3A_32, %mul3A_2 : i32
    %add3A_34 = arith.constant 48 : i32
    %add3A_35 = arith.addi %add3A_33, %add3A_34 : i32
    %mul3A_36 = arith.constant 2048 : i32
    %mul3A_37 = arith.muli %add3A_35, %mul3A_36 : i32
    %add3A_38 = arith.constant 2048 : i32
    %add3A_39 = arith.addi %add3A_38, %mul3A_2 : i32
    %add3A_40 = arith.constant 48 : i32
    %add3A_41 = arith.addi %add3A_39, %add3A_40 : i32
    %mul3A_42 = arith.constant 2048 : i32
    %mul3A_43 = arith.muli %add3A_41, %mul3A_42 : i32
    %dma_wait3A = arith.constant 0 : i32
    %dma_wait3A_44 = tpu.memref_slice %arg5[%dma_wait3A] : memref<32768xf32, #tpu.memory_space<vmem>> -> memref<16384xf32, #tpu.memory_space<vmem>>
    %dma_wait3A_45 = tpu.memref_slice %arg3[%mul3A_37] : memref<8388608xf32, #tpu.memory_space<hbm>> -> memref<16384xf32, #tpu.memory_space<hbm>>
    %dma_wait3A_46 = tpu.memref_slice %arg3[%mul3A_37] : memref<8388608xf32, #tpu.memory_space<hbm>> -> memref<16384xf32, #tpu.memory_space<hbm>>
    %dma_wait3A_47 = arith.constant 0 : i32
    %dma_wait3A_48 = tpu.memref_slice %arg5[%dma_wait3A_47] : memref<32768xf32, #tpu.memory_space<vmem>> -> memref<16384xf32, #tpu.memory_space<vmem>>
    tpu.wait_dma2 semaphore(%arg7 : memref<!tpu.dma_semaphore, #tpu.memory_space<semaphore_mem>>) src(%dma_wait3A_48 : memref<16384xf32, #tpu.memory_space<vmem>>) dst(%dma_wait3A_46 : memref<16384xf32, #tpu.memory_space<hbm>>)
    %dma_wait3A_49 = arith.constant 16384 : i32
    %dma_wait3A_50 = tpu.memref_slice %arg5[%dma_wait3A_49] : memref<32768xf32, #tpu.memory_space<vmem>> -> memref<16384xf32, #tpu.memory_space<vmem>>
    %dma_wait3A_51 = tpu.memref_slice %arg3[%mul3A_43] : memref<8388608xf32, #tpu.memory_space<hbm>> -> memref<16384xf32, #tpu.memory_space<hbm>>
    %dma_wait3A_52 = tpu.memref_slice %arg3[%mul3A_43] : memref<8388608xf32, #tpu.memory_space<hbm>> -> memref<16384xf32, #tpu.memory_space<hbm>>
    %dma_wait3A_53 = arith.constant 16384 : i32
    %dma_wait3A_54 = tpu.memref_slice %arg5[%dma_wait3A_53] : memref<32768xf32, #tpu.memory_space<vmem>> -> memref<16384xf32, #tpu.memory_space<vmem>>
    tpu.wait_dma2 semaphore(%arg7 : memref<!tpu.dma_semaphore, #tpu.memory_space<semaphore_mem>>) src(%dma_wait3A_54 : memref<16384xf32, #tpu.memory_space<vmem>>) dst(%dma_wait3A_52 : memref<16384xf32, #tpu.memory_space<hbm>>)
    %add3A_55 = arith.constant 0 : i32
    %add3A_56 = arith.addi %add3A_55, %mul3A_2 : i32
    %add3A_57 = arith.constant 56 : i32
    %add3A_58 = arith.addi %add3A_56, %add3A_57 : i32
    %mul3A_59 = arith.constant 2048 : i32
    %mul3A_60 = arith.muli %add3A_58, %mul3A_59 : i32
    %add3A_61 = arith.constant 2048 : i32
    %add3A_62 = arith.addi %add3A_61, %mul3A_2 : i32
    %add3A_63 = arith.constant 56 : i32
    %add3A_64 = arith.addi %add3A_62, %add3A_63 : i32
    %mul3A_65 = arith.constant 2048 : i32
    %mul3A_66 = arith.muli %add3A_64, %mul3A_65 : i32
    %dma_wait3A_67 = arith.constant 0 : i32
    %dma_wait3A_68 = tpu.memref_slice %arg6[%dma_wait3A_67] : memref<32768xf32, #tpu.memory_space<vmem>> -> memref<16384xf32, #tpu.memory_space<vmem>>
    %dma_wait3A_69 = tpu.memref_slice %arg3[%mul3A_60] : memref<8388608xf32, #tpu.memory_space<hbm>> -> memref<16384xf32, #tpu.memory_space<hbm>>
    %dma_wait3A_70 = tpu.memref_slice %arg3[%mul3A_60] : memref<8388608xf32, #tpu.memory_space<hbm>> -> memref<16384xf32, #tpu.memory_space<hbm>>
    %dma_wait3A_71 = arith.constant 0 : i32
    %dma_wait3A_72 = tpu.memref_slice %arg6[%dma_wait3A_71] : memref<32768xf32, #tpu.memory_space<vmem>> -> memref<16384xf32, #tpu.memory_space<vmem>>
    tpu.wait_dma2 semaphore(%arg8 : memref<!tpu.dma_semaphore, #tpu.memory_space<semaphore_mem>>) src(%dma_wait3A_72 : memref<16384xf32, #tpu.memory_space<vmem>>) dst(%dma_wait3A_70 : memref<16384xf32, #tpu.memory_space<hbm>>)
    %dma_wait3A_73 = arith.constant 16384 : i32
    %dma_wait3A_74 = tpu.memref_slice %arg6[%dma_wait3A_73] : memref<32768xf32, #tpu.memory_space<vmem>> -> memref<16384xf32, #tpu.memory_space<vmem>>
    %dma_wait3A_75 = tpu.memref_slice %arg3[%mul3A_66] : memref<8388608xf32, #tpu.memory_space<hbm>> -> memref<16384xf32, #tpu.memory_space<hbm>>
    %dma_wait3A_76 = tpu.memref_slice %arg3[%mul3A_66] : memref<8388608xf32, #tpu.memory_space<hbm>> -> memref<16384xf32, #tpu.memory_space<hbm>>
    %dma_wait3A_77 = arith.constant 16384 : i32
    %dma_wait3A_78 = tpu.memref_slice %arg6[%dma_wait3A_77] : memref<32768xf32, #tpu.memory_space<vmem>> -> memref<16384xf32, #tpu.memory_space<vmem>>
    tpu.wait_dma2 semaphore(%arg8 : memref<!tpu.dma_semaphore, #tpu.memory_space<semaphore_mem>>) src(%dma_wait3A_78 : memref<16384xf32, #tpu.memory_space<vmem>>) dst(%dma_wait3A_76 : memref<16384xf32, #tpu.memory_space<hbm>>)
    return
  }
}

#map = affine_map<(d0, d1) -> (0)>
module attributes {stable_mosaic.version = 14 : i64} {
  func.func @hist(%arg0: i32, %arg1: i32, %arg2: memref<524288xi32, #tpu.memory_space<hbm>>, %arg3: memref<8388608xf32, #tpu.memory_space<hbm>>, %arg4: memref<16384xi32, #tpu.memory_space<vmem>>, %arg5: memref<32768xf32, #tpu.memory_space<vmem>>, %arg6: memref<32768xf32, #tpu.memory_space<vmem>>, %arg7: memref<!tpu.dma_semaphore, #tpu.memory_space<semaphore_mem>>, %arg8: memref<!tpu.dma_semaphore, #tpu.memory_space<semaphore_mem>>) attributes {dimension_semantics = [#tpu.dimension_semantics<core_parallel>, #tpu.dimension_semantics<subcore_parallel>], iteration_bounds = array<i64: 2, 16>, scalar_prefetch = 0 : i64, scratch_operands = 5 : i64, tpu.core_type = #tpu.core_type<sc_vector_subcore>, window_params = [{transform_indices = #map}, {transform_indices = #map}]} {
    %mul3A = arith.constant 2 : i32
    %mul3A_0 = arith.muli %arg1, %mul3A : i32
    %add3A = arith.addi %mul3A_0, %arg0 : i32
    %mul3A_1 = arith.constant 64 : i32
    %mul3A_2 = arith.muli %add3A, %mul3A_1 : i32
    %mul3A_3 = arith.constant 2 : i32
    %mul3A_4 = arith.muli %mul3A_2, %mul3A_3 : i32
    %mul3A_5 = arith.constant 128 : i32
    %mul3A_6 = arith.muli %mul3A_4, %mul3A_5 : i32
    "tpu.region"() ({
      %run_scoped3A = tpu.sem_alloc : memref<!tpu.dma_semaphore, #tpu.memory_space<semaphore_mem>>
      %dma_start3A = tpu.memref_slice %arg2[%mul3A_6] : memref<524288xi32, #tpu.memory_space<hbm>> -> memref<16384xi32, #tpu.memory_space<hbm>>
      %dma_start3A_79 = tpu.memref_slice %arg2[%mul3A_6] : memref<524288xi32, #tpu.memory_space<hbm>> -> memref<16384xi32, #tpu.memory_space<hbm>>
      tpu.enqueue_dma source(%dma_start3A_79 : memref<16384xi32, #tpu.memory_space<hbm>>) target(%arg4 : memref<16384xi32, #tpu.memory_space<vmem>>) target_semaphore(%run_scoped3A : memref<!tpu.dma_semaphore, #tpu.memory_space<semaphore_mem>>)
      %dma_wait3A_80 = tpu.memref_slice %arg2[%mul3A_6] : memref<524288xi32, #tpu.memory_space<hbm>> -> memref<16384xi32, #tpu.memory_space<hbm>>
      %dma_wait3A_81 = tpu.memref_slice %arg2[%mul3A_6] : memref<524288xi32, #tpu.memory_space<hbm>> -> memref<16384xi32, #tpu.memory_space<hbm>>
      tpu.wait_dma2 semaphore(%run_scoped3A : memref<!tpu.dma_semaphore, #tpu.memory_space<semaphore_mem>>) src(%dma_wait3A_81 : memref<16384xi32, #tpu.memory_space<hbm>>) dst(%arg4 : memref<16384xi32, #tpu.memory_space<vmem>>)
      tpu.yield
    }) : () -> ()
    %broadcast_in_dim3A = arith.constant 0.000000e+00 : f32
    %broadcast_in_dim3A_7 = vector.broadcast %broadcast_in_dim3A : f32 to vector<16xf32>
    %scan3A = arith.constant 0 : i32
    %scan3A_8 = arith.constant 0 : i32
    %scan3A_9 = arith.constant 128 : i32
    %scan3A_10 = arith.addi %scan3A_8, %scan3A_9 : i32
    %scan3A_11 = arith.constant 1 : i32
    %scan3A_12 = scf.for %scan3A_79 = %scan3A_8 to %scan3A_10 step %scan3A_11 iter_args(%scan3A_80 = %scan3A) -> (i32)  : i32 {
      %mul3A_81 = arith.constant 16 : i32
      %mul3A_82 = arith.muli %scan3A_79, %mul3A_81 : i32
      %add3A_83 = arith.constant 0 : i32
      %add3A_84 = arith.addi %mul3A_82, %add3A_83 : i32
      %mul3A_85 = arith.constant 16 : i32
      %mul3A_86 = arith.muli %add3A_84, %mul3A_85 : i32
      %swap3A = arith.index_cast %mul3A_86 : i32 to index
      %swap3A_87 = tpu.vector_load %arg5[%swap3A] {strides = array<i32>} : memref<32768xf32, #tpu.memory_space<vmem>>, vector<16xf32>,
      tpu.vector_store %arg5[%swap3A], %broadcast_in_dim3A_7 {strides = array<i32>} : memref<32768xf32, #tpu.memory_space<vmem>>, vector<16xf32>,
      %mul3A_88 = arith.constant 16 : i32
      %mul3A_89 = arith.muli %scan3A_79, %mul3A_88 : i32
      %add3A_90 = arith.constant 1 : i32
      %add3A_91 = arith.addi %mul3A_89, %add3A_90 : i32
      %mul3A_92 = arith.constant 16 : i32
      %mul3A_93 = arith.muli %add3A_91, %mul3A_92 : i32
      %swap3A_94 = arith.index_cast %mul3A_93 : i32 to index
      %swap3A_95 = tpu.vector_load %arg5[%swap3A_94] {strides = array<i32>} : memref<32768xf32, #tpu.memory_space<vmem>>, vector<16xf32>,
      tpu.vector_store %arg5[%swap3A_94], %broadcast_in_dim3A_7 {strides = array<i32>} : memref<32768xf32, #tpu.memory_space<vmem>>, vector<16xf32>,
      %mul3A_96 = arith.constant 16 : i32
      %mul3A_97 = arith.muli %scan3A_79, %mul3A_96 : i32
      %add3A_98 = arith.constant 2 : i32
      %add3A_99 = arith.addi %mul3A_97, %add3A_98 : i32
      %mul3A_100 = arith.constant 16 : i32
      %mul3A_101 = arith.muli %add3A_99, %mul3A_100 : i32
      %swap3A_102 = arith.index_cast %mul3A_101 : i32 to index
      %swap3A_103 = tpu.vector_load %arg5[%swap3A_102] {strides = array<i32>} : memref<32768xf32, #tpu.memory_space<vmem>>, vector<16xf32>,
      tpu.vector_store %arg5[%swap3A_102], %broadcast_in_dim3A_7 {strides = array<i32>} : memref<32768xf32, #tpu.memory_space<vmem>>, vector<16xf32>,
      %mul3A_104 = arith.constant 16 : i32
      %mul3A_105 = arith.muli %scan3A_79, %mul3A_104 : i32
      %add3A_106 = arith.constant 3 : i32
      %add3A_107 = arith.addi %mul3A_105, %add3A_106 : i32
      %mul3A_108 = arith.constant 16 : i32
      %mul3A_109 = arith.muli %add3A_107, %mul3A_108 : i32
      %swap3A_110 = arith.index_cast %mul3A_109 : i32 to index
      %swap3A_111 = tpu.vector_load %arg5[%swap3A_110] {strides = array<i32>} : memref<32768xf32, #tpu.memory_space<vmem>>, vector<16xf32>,
      tpu.vector_store %arg5[%swap3A_110], %broadcast_in_dim3A_7 {strides = array<i32>} : memref<32768xf32, #tpu.memory_space<vmem>>, vector<16xf32>,
      %mul3A_112 = arith.constant 16 : i32
      %mul3A_113 = arith.muli %scan3A_79, %mul3A_112 : i32
      %add3A_114 = arith.constant 4 : i32
      %add3A_115 = arith.addi %mul3A_113, %add3A_114 : i32
      %mul3A_116 = arith.constant 16 : i32
      %mul3A_117 = arith.muli %add3A_115, %mul3A_116 : i32
      %swap3A_118 = arith.index_cast %mul3A_117 : i32 to index
      %swap3A_119 = tpu.vector_load %arg5[%swap3A_118] {strides = array<i32>} : memref<32768xf32, #tpu.memory_space<vmem>>, vector<16xf32>,
      tpu.vector_store %arg5[%swap3A_118], %broadcast_in_dim3A_7 {strides = array<i32>} : memref<32768xf32, #tpu.memory_space<vmem>>, vector<16xf32>,
      %mul3A_120 = arith.constant 16 : i32
      %mul3A_121 = arith.muli %scan3A_79, %mul3A_120 : i32
      %add3A_122 = arith.constant 5 : i32
      %add3A_123 = arith.addi %mul3A_121, %add3A_122 : i32
      %mul3A_124 = arith.constant 16 : i32
      %mul3A_125 = arith.muli %add3A_123, %mul3A_124 : i32
      %swap3A_126 = arith.index_cast %mul3A_125 : i32 to index
      %swap3A_127 = tpu.vector_load %arg5[%swap3A_126] {strides = array<i32>} : memref<32768xf32, #tpu.memory_space<vmem>>, vector<16xf32>,
      tpu.vector_store %arg5[%swap3A_126], %broadcast_in_dim3A_7 {strides = array<i32>} : memref<32768xf32, #tpu.memory_space<vmem>>, vector<16xf32>,
      %mul3A_128 = arith.constant 16 : i32
      %mul3A_129 = arith.muli %scan3A_79, %mul3A_128 : i32
      %add3A_130 = arith.constant 6 : i32
      %add3A_131 = arith.addi %mul3A_129, %add3A_130 : i32
      %mul3A_132 = arith.constant 16 : i32
      %mul3A_133 = arith.muli %add3A_131, %mul3A_132 : i32
      %swap3A_134 = arith.index_cast %mul3A_133 : i32 to index
      %swap3A_135 = tpu.vector_load %arg5[%swap3A_134] {strides = array<i32>} : memref<32768xf32, #tpu.memory_space<vmem>>, vector<16xf32>,
      tpu.vector_store %arg5[%swap3A_134], %broadcast_in_dim3A_7 {strides = array<i32>} : memref<32768xf32, #tpu.memory_space<vmem>>, vector<16xf32>,
      %mul3A_136 = arith.constant 16 : i32
      %mul3A_137 = arith.muli %scan3A_79, %mul3A_136 : i32
      %add3A_138 = arith.constant 7 : i32
      %add3A_139 = arith.addi %mul3A_137, %add3A_138 : i32
      %mul3A_140 = arith.constant 16 : i32
      %mul3A_141 = arith.muli %add3A_139, %mul3A_140 : i32
      %swap3A_142 = arith.index_cast %mul3A_141 : i32 to index
      %swap3A_143 = tpu.vector_load %arg5[%swap3A_142] {strides = array<i32>} : memref<32768xf32, #tpu.memory_space<vmem>>, vector<16xf32>,
      tpu.vector_store %arg5[%swap3A_142], %broadcast_in_dim3A_7 {strides = array<i32>} : memref<32768xf32, #tpu.memory_space<vmem>>, vector<16xf32>,
      %mul3A_144 = arith.constant 16 : i32
      %mul3A_145 = arith.muli %scan3A_79, %mul3A_144 : i32
      %add3A_146 = arith.constant 8 : i32
      %add3A_147 = arith.addi %mul3A_145, %add3A_146 : i32
      %mul3A_148 = arith.constant 16 : i32
      %mul3A_149 = arith.muli %add3A_147, %mul3A_148 : i32
      %swap3A_150 = arith.index_cast %mul3A_149 : i32 to index
      %swap3A_151 = tpu.vector_load %arg5[%swap3A_150] {strides = array<i32>} : memref<32768xf32, #tpu.memory_space<vmem>>, vector<16xf32>,
      tpu.vector_store %arg5[%swap3A_150], %broadcast_in_dim3A_7 {strides = array<i32>} : memref<32768xf32, #tpu.memory_space<vmem>>, vector<16xf32>,
      %mul3A_152 = arith.constant 16 : i32
      %mul3A_153 = arith.muli %scan3A_79, %mul3A_152 : i32
      %add3A_154 = arith.constant 9 : i32
      %add3A_155 = arith.addi %mul3A_153, %add3A_154 : i32
      %mul3A_156 = arith.constant 16 : i32
      %mul3A_157 = arith.muli %add3A_155, %mul3A_156 : i32
      %swap3A_158 = arith.index_cast %mul3A_157 : i32 to index
      %swap3A_159 = tpu.vector_load %arg5[%swap3A_158] {strides = array<i32>} : memref<32768xf32, #tpu.memory_space<vmem>>, vector<16xf32>,
      tpu.vector_store %arg5[%swap3A_158], %broadcast_in_dim3A_7 {strides = array<i32>} : memref<32768xf32, #tpu.memory_space<vmem>>, vector<16xf32>,
      %mul3A_160 = arith.constant 16 : i32
      %mul3A_161 = arith.muli %scan3A_79, %mul3A_160 : i32
      %add3A_162 = arith.constant 10 : i32
      %add3A_163 = arith.addi %mul3A_161, %add3A_162 : i32
      %mul3A_164 = arith.constant 16 : i32
      %mul3A_165 = arith.muli %add3A_163, %mul3A_164 : i32
      %swap3A_166 = arith.index_cast %mul3A_165 : i32 to index
      %swap3A_167 = tpu.vector_load %arg5[%swap3A_166] {strides = array<i32>} : memref<32768xf32, #tpu.memory_space<vmem>>, vector<16xf32>,
      tpu.vector_store %arg5[%swap3A_166], %broadcast_in_dim3A_7 {strides = array<i32>} : memref<32768xf32, #tpu.memory_space<vmem>>, vector<16xf32>,
      %mul3A_168 = arith.constant 16 : i32
      %mul3A_169 = arith.muli %scan3A_79, %mul3A_168 : i32
      %add3A_170 = arith.constant 11 : i32
      %add3A_171 = arith.addi %mul3A_169, %add3A_170 : i32
      %mul3A_172 = arith.constant 16 : i32
      %mul3A_173 = arith.muli %add3A_171, %mul3A_172 : i32
      %swap3A_174 = arith.index_cast %mul3A_173 : i32 to index
      %swap3A_175 = tpu.vector_load %arg5[%swap3A_174] {strides = array<i32>} : memref<32768xf32, #tpu.memory_space<vmem>>, vector<16xf32>,
      tpu.vector_store %arg5[%swap3A_174], %broadcast_in_dim3A_7 {strides = array<i32>} : memref<32768xf32, #tpu.memory_space<vmem>>, vector<16xf32>,
      %mul3A_176 = arith.constant 16 : i32
      %mul3A_177 = arith.muli %scan3A_79, %mul3A_176 : i32
      %add3A_178 = arith.constant 12 : i32
      %add3A_179 = arith.addi %mul3A_177, %add3A_178 : i32
      %mul3A_180 = arith.constant 16 : i32
      %mul3A_181 = arith.muli %add3A_179, %mul3A_180 : i32
      %swap3A_182 = arith.index_cast %mul3A_181 : i32 to index
      %swap3A_183 = tpu.vector_load %arg5[%swap3A_182] {strides = array<i32>} : memref<32768xf32, #tpu.memory_space<vmem>>, vector<16xf32>,
      tpu.vector_store %arg5[%swap3A_182], %broadcast_in_dim3A_7 {strides = array<i32>} : memref<32768xf32, #tpu.memory_space<vmem>>, vector<16xf32>,
      %mul3A_184 = arith.constant 16 : i32
      %mul3A_185 = arith.muli %scan3A_79, %mul3A_184 : i32
      %add3A_186 = arith.constant 13 : i32
      %add3A_187 = arith.addi %mul3A_185, %add3A_186 : i32
      %mul3A_188 = arith.constant 16 : i32
      %mul3A_189 = arith.muli %add3A_187, %mul3A_188 : i32
      %swap3A_190 = arith.index_cast %mul3A_189 : i32 to index
      %swap3A_191 = tpu.vector_load %arg5[%swap3A_190] {strides = array<i32>} : memref<32768xf32, #tpu.memory_space<vmem>>, vector<16xf32>,
      tpu.vector_store %arg5[%swap3A_190], %broadcast_in_dim3A_7 {strides = array<i32>} : memref<32768xf32, #tpu.memory_space<vmem>>, vector<16xf32>,
      %mul3A_192 = arith.constant 16 : i32
      %mul3A_193 = arith.muli %scan3A_79, %mul3A_192 : i32
      %add3A_194 = arith.constant 14 : i32
      %add3A_195 = arith.addi %mul3A_193, %add3A_194 : i32
      %mul3A_196 = arith.constant 16 : i32
      %mul3A_197 = arith.muli %add3A_195, %mul3A_196 : i32
      %swap3A_198 = arith.index_cast %mul3A_197 : i32 to index
      %swap3A_199 = tpu.vector_load %arg5[%swap3A_198] {strides = array<i32>} : memref<32768xf32, #tpu.memory_space<vmem>>, vector<16xf32>,
      tpu.vector_store %arg5[%swap3A_198], %broadcast_in_dim3A_7 {strides = array<i32>} : memref<32768xf32, #tpu.memory_space<vmem>>, vector<16xf32>,
      %mul3A_200 = arith.constant 16 : i32
      %mul3A_201 = arith.muli %scan3A_79, %mul3A_200 : i32
      %add3A_202 = arith.constant 15 : i32
      %add3A_203 = arith.addi %mul3A_201, %add3A_202 : i32
      %mul3A_204 = arith.constant 16 : i32
      %mul3A_205 = arith.muli %add3A_203, %mul3A_204 : i32
      %swap3A_206 = arith.index_cast %mul3A_205 : i32 to index
      %swap3A_207 = tpu.vector_load %arg5[%swap3A_206] {strides = array<i32>} : memref<32768xf32, #tpu.memory_space<vmem>>, vector<16xf32>,
      tpu.vector_store %arg5[%swap3A_206], %broadcast_in_dim3A_7 {strides = array<i32>} : memref<32768xf32, #tpu.memory_space<vmem>>, vector<16xf32>,
      %scan3A_208 = arith.constant 0 : i32
      scf.yield %scan3A_208 : i32
    }
    %scan3A_13 = arith.constant 128 : i32
    %scan3A_14 = arith.constant 0 : i32
    %scan3A_15 = arith.constant 0 : i32
    %scan3A_16 = arith.constant 128 : i32
    %scan3A_17 = arith.addi %scan3A_15, %scan3A_16 : i32
    %scan3A_18 = arith.constant 1 : i32
    %scan3A_19 = scf.for %scan3A_79 = %scan3A_15 to %scan3A_17 step %scan3A_18 iter_args(%scan3A_80 = %scan3A_14) -> (i32)  : i32 {
      %mul3A_81 = arith.constant 16 : i32
      %mul3A_82 = arith.muli %scan3A_79, %mul3A_81 : i32
      %add3A_83 = arith.constant 0 : i32
      %add3A_84 = arith.addi %mul3A_82, %add3A_83 : i32
      %mul3A_85 = arith.constant 16 : i32
      %mul3A_86 = arith.muli %add3A_84, %mul3A_85 : i32
      %swap3A = arith.index_cast %mul3A_86 : i32 to index
      %swap3A_87 = tpu.vector_load %arg6[%swap3A] {strides = array<i32>} : memref<32768xf32, #tpu.memory_space<vmem>>, vector<16xf32>,
      tpu.vector_store %arg6[%swap3A], %broadcast_in_dim3A_7 {strides = array<i32>} : memref<32768xf32, #tpu.memory_space<vmem>>, vector<16xf32>,
      %mul3A_88 = arith.constant 16 : i32
      %mul3A_89 = arith.muli %scan3A_79, %mul3A_88 : i32
      %add3A_90 = arith.constant 1 : i32
      %add3A_91 = arith.addi %mul3A_89, %add3A_90 : i32
      %mul3A_92 = arith.constant 16 : i32
      %mul3A_93 = arith.muli %add3A_91, %mul3A_92 : i32
      %swap3A_94 = arith.index_cast %mul3A_93 : i32 to index
      %swap3A_95 = tpu.vector_load %arg6[%swap3A_94] {strides = array<i32>} : memref<32768xf32, #tpu.memory_space<vmem>>, vector<16xf32>,
      tpu.vector_store %arg6[%swap3A_94], %broadcast_in_dim3A_7 {strides = array<i32>} : memref<32768xf32, #tpu.memory_space<vmem>>, vector<16xf32>,
      %mul3A_96 = arith.constant 16 : i32
      %mul3A_97 = arith.muli %scan3A_79, %mul3A_96 : i32
      %add3A_98 = arith.constant 2 : i32
      %add3A_99 = arith.addi %mul3A_97, %add3A_98 : i32
      %mul3A_100 = arith.constant 16 : i32
      %mul3A_101 = arith.muli %add3A_99, %mul3A_100 : i32
      %swap3A_102 = arith.index_cast %mul3A_101 : i32 to index
      %swap3A_103 = tpu.vector_load %arg6[%swap3A_102] {strides = array<i32>} : memref<32768xf32, #tpu.memory_space<vmem>>, vector<16xf32>,
      tpu.vector_store %arg6[%swap3A_102], %broadcast_in_dim3A_7 {strides = array<i32>} : memref<32768xf32, #tpu.memory_space<vmem>>, vector<16xf32>,
      %mul3A_104 = arith.constant 16 : i32
      %mul3A_105 = arith.muli %scan3A_79, %mul3A_104 : i32
      %add3A_106 = arith.constant 3 : i32
      %add3A_107 = arith.addi %mul3A_105, %add3A_106 : i32
      %mul3A_108 = arith.constant 16 : i32
      %mul3A_109 = arith.muli %add3A_107, %mul3A_108 : i32
      %swap3A_110 = arith.index_cast %mul3A_109 : i32 to index
      %swap3A_111 = tpu.vector_load %arg6[%swap3A_110] {strides = array<i32>} : memref<32768xf32, #tpu.memory_space<vmem>>, vector<16xf32>,
      tpu.vector_store %arg6[%swap3A_110], %broadcast_in_dim3A_7 {strides = array<i32>} : memref<32768xf32, #tpu.memory_space<vmem>>, vector<16xf32>,
      %mul3A_112 = arith.constant 16 : i32
      %mul3A_113 = arith.muli %scan3A_79, %mul3A_112 : i32
      %add3A_114 = arith.constant 4 : i32
      %add3A_115 = arith.addi %mul3A_113, %add3A_114 : i32
      %mul3A_116 = arith.constant 16 : i32
      %mul3A_117 = arith.muli %add3A_115, %mul3A_116 : i32
      %swap3A_118 = arith.index_cast %mul3A_117 : i32 to index
      %swap3A_119 = tpu.vector_load %arg6[%swap3A_118] {strides = array<i32>} : memref<32768xf32, #tpu.memory_space<vmem>>, vector<16xf32>,
      tpu.vector_store %arg6[%swap3A_118], %broadcast_in_dim3A_7 {strides = array<i32>} : memref<32768xf32, #tpu.memory_space<vmem>>, vector<16xf32>,
      %mul3A_120 = arith.constant 16 : i32
      %mul3A_121 = arith.muli %scan3A_79, %mul3A_120 : i32
      %add3A_122 = arith.constant 5 : i32
      %add3A_123 = arith.addi %mul3A_121, %add3A_122 : i32
      %mul3A_124 = arith.constant 16 : i32
      %mul3A_125 = arith.muli %add3A_123, %mul3A_124 : i32
      %swap3A_126 = arith.index_cast %mul3A_125 : i32 to index
      %swap3A_127 = tpu.vector_load %arg6[%swap3A_126] {strides = array<i32>} : memref<32768xf32, #tpu.memory_space<vmem>>, vector<16xf32>,
      tpu.vector_store %arg6[%swap3A_126], %broadcast_in_dim3A_7 {strides = array<i32>} : memref<32768xf32, #tpu.memory_space<vmem>>, vector<16xf32>,
      %mul3A_128 = arith.constant 16 : i32
      %mul3A_129 = arith.muli %scan3A_79, %mul3A_128 : i32
      %add3A_130 = arith.constant 6 : i32
      %add3A_131 = arith.addi %mul3A_129, %add3A_130 : i32
      %mul3A_132 = arith.constant 16 : i32
      %mul3A_133 = arith.muli %add3A_131, %mul3A_132 : i32
      %swap3A_134 = arith.index_cast %mul3A_133 : i32 to index
      %swap3A_135 = tpu.vector_load %arg6[%swap3A_134] {strides = array<i32>} : memref<32768xf32, #tpu.memory_space<vmem>>, vector<16xf32>,
      tpu.vector_store %arg6[%swap3A_134], %broadcast_in_dim3A_7 {strides = array<i32>} : memref<32768xf32, #tpu.memory_space<vmem>>, vector<16xf32>,
      %mul3A_136 = arith.constant 16 : i32
      %mul3A_137 = arith.muli %scan3A_79, %mul3A_136 : i32
      %add3A_138 = arith.constant 7 : i32
      %add3A_139 = arith.addi %mul3A_137, %add3A_138 : i32
      %mul3A_140 = arith.constant 16 : i32
      %mul3A_141 = arith.muli %add3A_139, %mul3A_140 : i32
      %swap3A_142 = arith.index_cast %mul3A_141 : i32 to index
      %swap3A_143 = tpu.vector_load %arg6[%swap3A_142] {strides = array<i32>} : memref<32768xf32, #tpu.memory_space<vmem>>, vector<16xf32>,
      tpu.vector_store %arg6[%swap3A_142], %broadcast_in_dim3A_7 {strides = array<i32>} : memref<32768xf32, #tpu.memory_space<vmem>>, vector<16xf32>,
      %mul3A_144 = arith.constant 16 : i32
      %mul3A_145 = arith.muli %scan3A_79, %mul3A_144 : i32
      %add3A_146 = arith.constant 8 : i32
      %add3A_147 = arith.addi %mul3A_145, %add3A_146 : i32
      %mul3A_148 = arith.constant 16 : i32
      %mul3A_149 = arith.muli %add3A_147, %mul3A_148 : i32
      %swap3A_150 = arith.index_cast %mul3A_149 : i32 to index
      %swap3A_151 = tpu.vector_load %arg6[%swap3A_150] {strides = array<i32>} : memref<32768xf32, #tpu.memory_space<vmem>>, vector<16xf32>,
      tpu.vector_store %arg6[%swap3A_150], %broadcast_in_dim3A_7 {strides = array<i32>} : memref<32768xf32, #tpu.memory_space<vmem>>, vector<16xf32>,
      %mul3A_152 = arith.constant 16 : i32
      %mul3A_153 = arith.muli %scan3A_79, %mul3A_152 : i32
      %add3A_154 = arith.constant 9 : i32
      %add3A_155 = arith.addi %mul3A_153, %add3A_154 : i32
      %mul3A_156 = arith.constant 16 : i32
      %mul3A_157 = arith.muli %add3A_155, %mul3A_156 : i32
      %swap3A_158 = arith.index_cast %mul3A_157 : i32 to index
      %swap3A_159 = tpu.vector_load %arg6[%swap3A_158] {strides = array<i32>} : memref<32768xf32, #tpu.memory_space<vmem>>, vector<16xf32>,
      tpu.vector_store %arg6[%swap3A_158], %broadcast_in_dim3A_7 {strides = array<i32>} : memref<32768xf32, #tpu.memory_space<vmem>>, vector<16xf32>,
      %mul3A_160 = arith.constant 16 : i32
      %mul3A_161 = arith.muli %scan3A_79, %mul3A_160 : i32
      %add3A_162 = arith.constant 10 : i32
      %add3A_163 = arith.addi %mul3A_161, %add3A_162 : i32
      %mul3A_164 = arith.constant 16 : i32
      %mul3A_165 = arith.muli %add3A_163, %mul3A_164 : i32
      %swap3A_166 = arith.index_cast %mul3A_165 : i32 to index
      %swap3A_167 = tpu.vector_load %arg6[%swap3A_166] {strides = array<i32>} : memref<32768xf32, #tpu.memory_space<vmem>>, vector<16xf32>,
      tpu.vector_store %arg6[%swap3A_166], %broadcast_in_dim3A_7 {strides = array<i32>} : memref<32768xf32, #tpu.memory_space<vmem>>, vector<16xf32>,
      %mul3A_168 = arith.constant 16 : i32
      %mul3A_169 = arith.muli %scan3A_79, %mul3A_168 : i32
      %add3A_170 = arith.constant 11 : i32
      %add3A_171 = arith.addi %mul3A_169, %add3A_170 : i32
      %mul3A_172 = arith.constant 16 : i32
      %mul3A_173 = arith.muli %add3A_171, %mul3A_172 : i32
      %swap3A_174 = arith.index_cast %mul3A_173 : i32 to index
      %swap3A_175 = tpu.vector_load %arg6[%swap3A_174] {strides = array<i32>} : memref<32768xf32, #tpu.memory_space<vmem>>, vector<16xf32>,
      tpu.vector_store %arg6[%swap3A_174], %broadcast_in_dim3A_7 {strides = array<i32>} : memref<32768xf32, #tpu.memory_space<vmem>>, vector<16xf32>,
      %mul3A_176 = arith.constant 16 : i32
      %mul3A_177 = arith.muli %scan3A_79, %mul3A_176 : i32
      %add3A_178 = arith.constant 12 : i32
      %add3A_179 = arith.addi %mul3A_177, %add3A_178 : i32
      %mul3A_180 = arith.constant 16 : i32
      %mul3A_181 = arith.muli %add3A_179, %mul3A_180 : i32
      %swap3A_182 = arith.index_cast %mul3A_181 : i32 to index
      %swap3A_183 = tpu.vector_load %arg6[%swap3A_182] {strides = array<i32>} : memref<32768xf32, #tpu.memory_space<vmem>>, vector<16xf32>,
      tpu.vector_store %arg6[%swap3A_182], %broadcast_in_dim3A_7 {strides = array<i32>} : memref<32768xf32, #tpu.memory_space<vmem>>, vector<16xf32>,
      %mul3A_184 = arith.constant 16 : i32
      %mul3A_185 = arith.muli %scan3A_79, %mul3A_184 : i32
      %add3A_186 = arith.constant 13 : i32
      %add3A_187 = arith.addi %mul3A_185, %add3A_186 : i32
      %mul3A_188 = arith.constant 16 : i32
      %mul3A_189 = arith.muli %add3A_187, %mul3A_188 : i32
      %swap3A_190 = arith.index_cast %mul3A_189 : i32 to index
      %swap3A_191 = tpu.vector_load %arg6[%swap3A_190] {strides = array<i32>} : memref<32768xf32, #tpu.memory_space<vmem>>, vector<16xf32>,
      tpu.vector_store %arg6[%swap3A_190], %broadcast_in_dim3A_7 {strides = array<i32>} : memref<32768xf32, #tpu.memory_space<vmem>>, vector<16xf32>,
      %mul3A_192 = arith.constant 16 : i32
      %mul3A_193 = arith.muli %scan3A_79, %mul3A_192 : i32
      %add3A_194 = arith.constant 14 : i32
      %add3A_195 = arith.addi %mul3A_193, %add3A_194 : i32
      %mul3A_196 = arith.constant 16 : i32
      %mul3A_197 = arith.muli %add3A_195, %mul3A_196 : i32
      %swap3A_198 = arith.index_cast %mul3A_197 : i32 to index
      %swap3A_199 = tpu.vector_load %arg6[%swap3A_198] {strides = array<i32>} : memref<32768xf32, #tpu.memory_space<vmem>>, vector<16xf32>,
      tpu.vector_store %arg6[%swap3A_198], %broadcast_in_dim3A_7 {strides = array<i32>} : memref<32768xf32, #tpu.memory_space<vmem>>, vector<16xf32>,
      %mul3A_200 = arith.constant 16 : i32
      %mul3A_201 = arith.muli %scan3A_79, %mul3A_200 : i32
      %add3A_202 = arith.constant 15 : i32
      %add3A_203 = arith.addi %mul3A_201, %add3A_202 : i32
      %mul3A_204 = arith.constant 16 : i32
      %mul3A_205 = arith.muli %add3A_203, %mul3A_204 : i32
      %swap3A_206 = arith.index_cast %mul3A_205 : i32 to index
      %swap3A_207 = tpu.vector_load %arg6[%swap3A_206] {strides = array<i32>} : memref<32768xf32, #tpu.memory_space<vmem>>, vector<16xf32>,
      tpu.vector_store %arg6[%swap3A_206], %broadcast_in_dim3A_7 {strides = array<i32>} : memref<32768xf32, #tpu.memory_space<vmem>>, vector<16xf32>,
      %scan3A_208 = arith.constant 0 : i32
      scf.yield %scan3A_208 : i32
    }
    %scan3A_20 = arith.constant 128 : i32
    %broadcast_in_dim3A_21 = arith.constant 1.000000e+00 : f32
    %broadcast_in_dim3A_22 = vector.broadcast %broadcast_in_dim3A_21 : f32 to vector<16xf32>
    %neg3A = arith.constant 0.000000e+00 : f32
    %neg3A_23 = vector.broadcast %neg3A : f32 to vector<16xf32>
    %neg3A_24 = arith.subf %neg3A_23, %broadcast_in_dim3A_22 : vector<16xf32>
    %scan3A_25 = arith.constant 0 : i32
    %scan3A_26 = arith.constant 0 : i32
    %scan3A_27 = arith.constant 4 : i32
    %scan3A_28 = arith.addi %scan3A_26, %scan3A_27 : i32
    %scan3A_29 = arith.constant 1 : i32
    %scan3A_30 = scf.for %scan3A_79 = %scan3A_26 to %scan3A_28 step %scan3A_29 iter_args(%scan3A_80 = %scan3A_25) -> (i32)  : i32 {
      %mul3A_81 = arith.constant 2 : i32
      %mul3A_82 = arith.muli %scan3A_79, %mul3A_81 : i32
      %add3A_83 = arith.constant 0 : i32
      %add3A_84 = arith.addi %mul3A_82, %add3A_83 : i32
      %ge3A = arith.constant 2 : i32
      %ge3A_85 = arith.cmpi sge, %add3A_84, %ge3A : i32
      %convert_element_type3A = arith.extui %ge3A_85 : i1 to i32
      %cond3A = arith.constant 0 : i32
      %cond3A_86 = arith.cmpi ne, %convert_element_type3A, %cond3A : i32
      scf.if %cond3A_86 {
        %sub3A = arith.constant 2 : i32
        %sub3A_162 = arith.subi %add3A_84, %sub3A : i32
        %add3A_163 = arith.constant 0 : i32
        %add3A_164 = arith.addi %add3A_163, %mul3A_2 : i32
        %mul3A_165 = arith.constant 8 : i32
        %mul3A_166 = arith.muli %sub3A_162, %mul3A_165 : i32
        %add3A_167 = arith.addi %add3A_164, %mul3A_166 : i32
        %mul3A_168 = arith.constant 2048 : i32
        %mul3A_169 = arith.muli %add3A_167, %mul3A_168 : i32
        %add3A_170 = arith.constant 2048 : i32
        %add3A_171 = arith.addi %add3A_170, %mul3A_2 : i32
        %mul3A_172 = arith.constant 8 : i32
        %mul3A_173 = arith.muli %sub3A_162, %mul3A_172 : i32
        %add3A_174 = arith.addi %add3A_171, %mul3A_173 : i32
        %mul3A_175 = arith.constant 2048 : i32
        %mul3A_176 = arith.muli %add3A_174, %mul3A_175 : i32
        %dma_wait3A_177 = arith.constant 0 : i32
        %dma_wait3A_178 = tpu.memref_slice %arg5[%dma_wait3A_177] : memref<32768xf32, #tpu.memory_space<vmem>> -> memref<16384xf32, #tpu.memory_space<vmem>>
        %dma_wait3A_179 = tpu.memref_slice %arg3[%mul3A_169] : memref<8388608xf32, #tpu.memory_space<hbm>> -> memref<16384xf32, #tpu.memory_space<hbm>>
        %dma_wait3A_180 = tpu.memref_slice %arg3[%mul3A_169] : memref<8388608xf32, #tpu.memory_space<hbm>> -> memref<16384xf32, #tpu.memory_space<hbm>>
        %dma_wait3A_181 = arith.constant 0 : i32
        %dma_wait3A_182 = tpu.memref_slice %arg5[%dma_wait3A_181] : memref<32768xf32, #tpu.memory_space<vmem>> -> memref<16384xf32, #tpu.memory_space<vmem>>
        tpu.wait_dma2 semaphore(%arg7 : memref<!tpu.dma_semaphore, #tpu.memory_space<semaphore_mem>>) src(%dma_wait3A_182 : memref<16384xf32, #tpu.memory_space<vmem>>) dst(%dma_wait3A_180 : memref<16384xf32, #tpu.memory_space<hbm>>)
        %dma_wait3A_183 = arith.constant 16384 : i32
        %dma_wait3A_184 = tpu.memref_slice %arg5[%dma_wait3A_183] : memref<32768xf32, #tpu.memory_space<vmem>> -> memref<16384xf32, #tpu.memory_space<vmem>>
        %dma_wait3A_185 = tpu.memref_slice %arg3[%mul3A_176] : memref<8388608xf32, #tpu.memory_space<hbm>> -> memref<16384xf32, #tpu.memory_space<hbm>>
        %dma_wait3A_186 = tpu.memref_slice %arg3[%mul3A_176] : memref<8388608xf32, #tpu.memory_space<hbm>> -> memref<16384xf32, #tpu.memory_space<hbm>>
        %dma_wait3A_187 = arith.constant 16384 : i32
        %dma_wait3A_188 = tpu.memref_slice %arg5[%dma_wait3A_187] : memref<32768xf32, #tpu.memory_space<vmem>> -> memref<16384xf32, #tpu.memory_space<vmem>>
        tpu.wait_dma2 semaphore(%arg7 : memref<!tpu.dma_semaphore, #tpu.memory_space<semaphore_mem>>) src(%dma_wait3A_188 : memref<16384xf32, #tpu.memory_space<vmem>>) dst(%dma_wait3A_186 : memref<16384xf32, #tpu.memory_space<hbm>>)
        %sub3A_189 = arith.constant 2 : i32
        %sub3A_190 = arith.subi %add3A_84, %sub3A_189 : i32
        %scan3A_191 = arith.constant 0 : i32
        %scan3A_192 = arith.constant 0 : i32
        %scan3A_193 = arith.constant 128 : i32
        %scan3A_194 = arith.addi %scan3A_192, %scan3A_193 : i32
        %scan3A_195 = arith.constant 1 : i32
        %scan3A_196 = scf.for %scan3A_198 = %scan3A_192 to %scan3A_194 step %scan3A_195 iter_args(%scan3A_199 = %scan3A_191) -> (i32)  : i32 {
          %jit3A = arith.constant 16 : i32
          %div3A = arith.divsi %scan3A_198, %jit3A : i32
          %sign3A = arith.constant 0 : i32
          %sign3A_200 = arith.cmpi sgt, %scan3A_198, %sign3A : i32
          %sign3A_201 = arith.extui %sign3A_200 : i1 to i32
          %sign3A_202 = arith.constant 0 : i32
          %sign3A_203 = arith.cmpi slt, %scan3A_198, %sign3A_202 : i32
          %sign3A_204 = arith.extui %sign3A_203 : i1 to i32
          %sign3A_205 = arith.subi %sign3A_201, %sign3A_204 : i32
          %sign3A_206 = arith.constant 0 : i32
          %sign3A_207 = arith.cmpi sgt, %jit3A, %sign3A_206 : i32
          %sign3A_208 = arith.extui %sign3A_207 : i1 to i32
          %sign3A_209 = arith.constant 0 : i32
          %sign3A_210 = arith.cmpi slt, %jit3A, %sign3A_209 : i32
          %sign3A_211 = arith.extui %sign3A_210 : i1 to i32
          %sign3A_212 = arith.subi %sign3A_208, %sign3A_211 : i32
          %ne3A = arith.cmpi ne, %sign3A_205, %sign3A_212 : i32
          %rem3A = arith.remsi %scan3A_198, %jit3A : i32
          %ne3A_213 = arith.constant 0 : i32
          %ne3A_214 = arith.cmpi ne, %rem3A, %ne3A_213 : i32
          %and3A = arith.andi %ne3A, %ne3A_214 : i1
          %sub3A_215 = arith.constant 1 : i32
          %sub3A_216 = arith.subi %div3A, %sub3A_215 : i32
          %select_n3A = arith.select %and3A, %sub3A_216, %div3A : i32
          %jit3A_217 = arith.constant 8 : i32
          %div3A_218 = arith.divsi %scan3A_198, %jit3A_217 : i32
          %sign3A_219 = arith.constant 0 : i32
          %sign3A_220 = arith.cmpi sgt, %scan3A_198, %sign3A_219 : i32
          %sign3A_221 = arith.extui %sign3A_220 : i1 to i32
          %sign3A_222 = arith.constant 0 : i32
          %sign3A_223 = arith.cmpi slt, %scan3A_198, %sign3A_222 : i32
          %sign3A_224 = arith.extui %sign3A_223 : i1 to i32
          %sign3A_225 = arith.subi %sign3A_221, %sign3A_224 : i32
          %sign3A_226 = arith.constant 0 : i32
          %sign3A_227 = arith.cmpi sgt, %jit3A_217, %sign3A_226 : i32
          %sign3A_228 = arith.extui %sign3A_227 : i1 to i32
          %sign3A_229 = arith.constant 0 : i32
          %sign3A_230 = arith.cmpi slt, %jit3A_217, %sign3A_229 : i32
          %sign3A_231 = arith.extui %sign3A_230 : i1 to i32
          %sign3A_232 = arith.subi %sign3A_228, %sign3A_231 : i32
          %ne3A_233 = arith.cmpi ne, %sign3A_225, %sign3A_232 : i32
          %rem3A_234 = arith.remsi %scan3A_198, %jit3A_217 : i32
          %ne3A_235 = arith.constant 0 : i32
          %ne3A_236 = arith.cmpi ne, %rem3A_234, %ne3A_235 : i32
          %and3A_237 = arith.andi %ne3A_233, %ne3A_236 : i1
          %sub3A_238 = arith.constant 1 : i32
          %sub3A_239 = arith.subi %div3A_218, %sub3A_238 : i32
          %select_n3A_240 = arith.select %and3A_237, %sub3A_239, %div3A_218 : i32
          %jit3A_241 = arith.constant 2 : i32
          %eq3A = arith.constant 0 : i32
          %eq3A_242 = arith.cmpi eq, %jit3A_241, %eq3A : i32
          %jit3A_243 = arith.constant 1 : i32
          %select_n3A_244 = arith.select %eq3A_242, %jit3A_243, %jit3A_241 : i32
          %rem3A_245 = arith.remsi %select_n3A_240, %select_n3A_244 : i32
          %ne3A_246 = arith.constant 0 : i32
          %ne3A_247 = arith.cmpi ne, %rem3A_245, %ne3A_246 : i32
          %lt3A = arith.constant 0 : i32
          %lt3A_248 = arith.cmpi slt, %rem3A_245, %lt3A : i32
          %lt3A_249 = arith.constant 0 : i32
          %lt3A_250 = arith.cmpi slt, %select_n3A_244, %lt3A_249 : i32
          %ne3A_251 = arith.xori %lt3A_248, %lt3A_250 : i1
          %and3A_252 = arith.andi %ne3A_251, %ne3A_247 : i1
          %add3A_253 = arith.addi %rem3A_245, %select_n3A_244 : i32
          %select_n3A_254 = arith.select %and3A_252, %add3A_253, %rem3A_245 : i32
          %mul3A_255 = arith.constant 8 : i32
          %mul3A_256 = arith.muli %select_n3A_254, %mul3A_255 : i32
          %add3A_257 = arith.addi %mul3A_256, %select_n3A : i32
          %mul3A_258 = arith.constant 2048 : i32
          %mul3A_259 = arith.muli %add3A_257, %mul3A_258 : i32
          %mul3A_260 = arith.constant 8 : i32
          %mul3A_261 = arith.muli %sub3A_190, %mul3A_260 : i32
          %mul3A_262 = arith.constant 2 : i32
          %mul3A_263 = arith.muli %mul3A_261, %mul3A_262 : i32
          %mul3A_264 = arith.constant 128 : i32
          %mul3A_265 = arith.muli %mul3A_263, %mul3A_264 : i32
          %mul3A_266 = arith.constant 16 : i32
          %mul3A_267 = arith.muli %scan3A_198, %mul3A_266 : i32
          %add3A_268 = arith.addi %mul3A_265, %mul3A_267 : i32
          %get3A = arith.index_cast %add3A_268 : i32 to index
          %get3A_269 = tpu.vector_load %arg4[%get3A] {strides = array<i32>} : memref<16384xi32, #tpu.memory_space<vmem>>, vector<16xi32>,
          %add3A_270 = vector.broadcast %mul3A_259 : i32 to vector<16xi32>
          %add3A_271 = arith.addi %get3A_269, %add3A_270 : vector<16xi32>
          tpu.vector_store_idx %arg5[%add3A_271], %neg3A_24 {add = true} : memref<32768xf32, #tpu.memory_space<vmem>>[vector<16xi32>], vector<16xf32>,
          %scan3A_272 = arith.constant 0 : i32
          scf.yield %scan3A_272 : i32
        }
        %scan3A_197 = arith.constant 128 : i32
      } else {
      }
      %scan3A_87 = arith.constant 0 : i32
      %scan3A_88 = arith.constant 0 : i32
      %scan3A_89 = arith.constant 128 : i32
      %scan3A_90 = arith.addi %scan3A_88, %scan3A_89 : i32
      %scan3A_91 = arith.constant 1 : i32
      %scan3A_92 = scf.for %scan3A_162 = %scan3A_88 to %scan3A_90 step %scan3A_91 iter_args(%scan3A_163 = %scan3A_87) -> (i32)  : i32 {
        %jit3A = arith.constant 16 : i32
        %div3A = arith.divsi %scan3A_162, %jit3A : i32
        %sign3A = arith.constant 0 : i32
        %sign3A_164 = arith.cmpi sgt, %scan3A_162, %sign3A : i32
        %sign3A_165 = arith.extui %sign3A_164 : i1 to i32
        %sign3A_166 = arith.constant 0 : i32
        %sign3A_167 = arith.cmpi slt, %scan3A_162, %sign3A_166 : i32
        %sign3A_168 = arith.extui %sign3A_167 : i1 to i32
        %sign3A_169 = arith.subi %sign3A_165, %sign3A_168 : i32
        %sign3A_170 = arith.constant 0 : i32
        %sign3A_171 = arith.cmpi sgt, %jit3A, %sign3A_170 : i32
        %sign3A_172 = arith.extui %sign3A_171 : i1 to i32
        %sign3A_173 = arith.constant 0 : i32
        %sign3A_174 = arith.cmpi slt, %jit3A, %sign3A_173 : i32
        %sign3A_175 = arith.extui %sign3A_174 : i1 to i32
        %sign3A_176 = arith.subi %sign3A_172, %sign3A_175 : i32
        %ne3A = arith.cmpi ne, %sign3A_169, %sign3A_176 : i32
        %rem3A = arith.remsi %scan3A_162, %jit3A : i32
        %ne3A_177 = arith.constant 0 : i32
        %ne3A_178 = arith.cmpi ne, %rem3A, %ne3A_177 : i32
        %and3A = arith.andi %ne3A, %ne3A_178 : i1
        %sub3A = arith.constant 1 : i32
        %sub3A_179 = arith.subi %div3A, %sub3A : i32
        %select_n3A = arith.select %and3A, %sub3A_179, %div3A : i32
        %jit3A_180 = arith.constant 8 : i32
        %div3A_181 = arith.divsi %scan3A_162, %jit3A_180 : i32
        %sign3A_182 = arith.constant 0 : i32
        %sign3A_183 = arith.cmpi sgt, %scan3A_162, %sign3A_182 : i32
        %sign3A_184 = arith.extui %sign3A_183 : i1 to i32
        %sign3A_185 = arith.constant 0 : i32
        %sign3A_186 = arith.cmpi slt, %scan3A_162, %sign3A_185 : i32
        %sign3A_187 = arith.extui %sign3A_186 : i1 to i32
        %sign3A_188 = arith.subi %sign3A_184, %sign3A_187 : i32
        %sign3A_189 = arith.constant 0 : i32
        %sign3A_190 = arith.cmpi sgt, %jit3A_180, %sign3A_189 : i32
        %sign3A_191 = arith.extui %sign3A_190 : i1 to i32
        %sign3A_192 = arith.constant 0 : i32
        %sign3A_193 = arith.cmpi slt, %jit3A_180, %sign3A_192 : i32
        %sign3A_194 = arith.extui %sign3A_193 : i1 to i32
        %sign3A_195 = arith.subi %sign3A_191, %sign3A_194 : i32
        %ne3A_196 = arith.cmpi ne, %sign3A_188, %sign3A_195 : i32
        %rem3A_197 = arith.remsi %scan3A_162, %jit3A_180 : i32
        %ne3A_198 = arith.constant 0 : i32
        %ne3A_199 = arith.cmpi ne, %rem3A_197, %ne3A_198 : i32
        %and3A_200 = arith.andi %ne3A_196, %ne3A_199 : i1
        %sub3A_201 = arith.constant 1 : i32
        %sub3A_202 = arith.subi %div3A_181, %sub3A_201 : i32
        %select_n3A_203 = arith.select %and3A_200, %sub3A_202, %div3A_181 : i32
        %jit3A_204 = arith.constant 2 : i32
        %eq3A = arith.constant 0 : i32
        %eq3A_205 = arith.cmpi eq, %jit3A_204, %eq3A : i32
        %jit3A_206 = arith.constant 1 : i32
        %select_n3A_207 = arith.select %eq3A_205, %jit3A_206, %jit3A_204 : i32
        %rem3A_208 = arith.remsi %select_n3A_203, %select_n3A_207 : i32
        %ne3A_209 = arith.constant 0 : i32
        %ne3A_210 = arith.cmpi ne, %rem3A_208, %ne3A_209 : i32
        %lt3A = arith.constant 0 : i32
        %lt3A_211 = arith.cmpi slt, %rem3A_208, %lt3A : i32
        %lt3A_212 = arith.constant 0 : i32
        %lt3A_213 = arith.cmpi slt, %select_n3A_207, %lt3A_212 : i32
        %ne3A_214 = arith.xori %lt3A_211, %lt3A_213 : i1
        %and3A_215 = arith.andi %ne3A_214, %ne3A_210 : i1
        %add3A_216 = arith.addi %rem3A_208, %select_n3A_207 : i32
        %select_n3A_217 = arith.select %and3A_215, %add3A_216, %rem3A_208 : i32
        %mul3A_218 = arith.constant 8 : i32
        %mul3A_219 = arith.muli %select_n3A_217, %mul3A_218 : i32
        %add3A_220 = arith.addi %mul3A_219, %select_n3A : i32
        %mul3A_221 = arith.constant 2048 : i32
        %mul3A_222 = arith.muli %add3A_220, %mul3A_221 : i32
        %mul3A_223 = arith.constant 8 : i32
        %mul3A_224 = arith.muli %add3A_84, %mul3A_223 : i32
        %mul3A_225 = arith.constant 2 : i32
        %mul3A_226 = arith.muli %mul3A_224, %mul3A_225 : i32
        %mul3A_227 = arith.constant 128 : i32
        %mul3A_228 = arith.muli %mul3A_226, %mul3A_227 : i32
        %mul3A_229 = arith.constant 16 : i32
        %mul3A_230 = arith.muli %scan3A_162, %mul3A_229 : i32
        %add3A_231 = arith.addi %mul3A_228, %mul3A_230 : i32
        %get3A = arith.index_cast %add3A_231 : i32 to index
        %get3A_232 = tpu.vector_load %arg4[%get3A] {strides = array<i32>} : memref<16384xi32, #tpu.memory_space<vmem>>, vector<16xi32>,
        %add3A_233 = vector.broadcast %mul3A_222 : i32 to vector<16xi32>
        %add3A_234 = arith.addi %get3A_232, %add3A_233 : vector<16xi32>
        tpu.vector_store_idx %arg5[%add3A_234], %broadcast_in_dim3A_22 {add = true} : memref<32768xf32, #tpu.memory_space<vmem>>[vector<16xi32>], vector<16xf32>,
        %scan3A_235 = arith.constant 0 : i32
        scf.yield %scan3A_235 : i32
      }
      %scan3A_93 = arith.constant 128 : i32
      %add3A_94 = arith.constant 0 : i32
      %add3A_95 = arith.addi %add3A_94, %mul3A_2 : i32
      %mul3A_96 = arith.constant 8 : i32
      %mul3A_97 = arith.muli %add3A_84, %mul3A_96 : i32
      %add3A_98 = arith.addi %add3A_95, %mul3A_97 : i32
      %mul3A_99 = arith.constant 2048 : i32
      %mul3A_100 = arith.muli %add3A_98, %mul3A_99 : i32
      %add3A_101 = arith.constant 2048 : i32
      %add3A_102 = arith.addi %add3A_101, %mul3A_2 : i32
      %mul3A_103 = arith.constant 8 : i32
      %mul3A_104 = arith.muli %add3A_84, %mul3A_103 : i32
      %add3A_105 = arith.addi %add3A_102, %mul3A_104 : i32
      %mul3A_106 = arith.constant 2048 : i32
      %mul3A_107 = arith.muli %add3A_105, %mul3A_106 : i32
      %dma_start3A = arith.constant 0 : i32
      %dma_start3A_108 = tpu.memref_slice %arg5[%dma_start3A] : memref<32768xf32, #tpu.memory_space<vmem>> -> memref<16384xf32, #tpu.memory_space<vmem>>
      %dma_start3A_109 = tpu.memref_slice %arg3[%mul3A_100] : memref<8388608xf32, #tpu.memory_space<hbm>> -> memref<16384xf32, #tpu.memory_space<hbm>>
      %dma_start3A_110 = tpu.memref_slice %arg3[%mul3A_100] : memref<8388608xf32, #tpu.memory_space<hbm>> -> memref<16384xf32, #tpu.memory_space<hbm>>
      %dma_start3A_111 = arith.constant 0 : i32
      %dma_start3A_112 = tpu.memref_slice %arg5[%dma_start3A_111] : memref<32768xf32, #tpu.memory_space<vmem>> -> memref<16384xf32, #tpu.memory_space<vmem>>
      tpu.enqueue_dma source(%dma_start3A_112 : memref<16384xf32, #tpu.memory_space<vmem>>) target(%dma_start3A_110 : memref<16384xf32, #tpu.memory_space<hbm>>) target_semaphore(%arg7 : memref<!tpu.dma_semaphore, #tpu.memory_space<semaphore_mem>>)
      %dma_start3A_113 = arith.constant 16384 : i32
      %dma_start3A_114 = tpu.memref_slice %arg5[%dma_start3A_113] : memref<32768xf32, #tpu.memory_space<vmem>> -> memref<16384xf32, #tpu.memory_space<vmem>>
      %dma_start3A_115 = tpu.memref_slice %arg3[%mul3A_107] : memref<8388608xf32, #tpu.memory_space<hbm>> -> memref<16384xf32, #tpu.memory_space<hbm>>
      %dma_start3A_116 = tpu.memref_slice %arg3[%mul3A_107] : memref<8388608xf32, #tpu.memory_space<hbm>> -> memref<16384xf32, #tpu.memory_space<hbm>>
      %dma_start3A_117 = arith.constant 16384 : i32
      %dma_start3A_118 = tpu.memref_slice %arg5[%dma_start3A_117] : memref<32768xf32, #tpu.memory_space<vmem>> -> memref<16384xf32, #tpu.memory_space<vmem>>
      tpu.enqueue_dma source(%dma_start3A_118 : memref<16384xf32, #tpu.memory_space<vmem>>) target(%dma_start3A_116 : memref<16384xf32, #tpu.memory_space<hbm>>) target_semaphore(%arg7 : memref<!tpu.dma_semaphore, #tpu.memory_space<semaphore_mem>>)
      %mul3A_119 = arith.constant 2 : i32
      %mul3A_120 = arith.muli %scan3A_79, %mul3A_119 : i32
      %add3A_121 = arith.constant 1 : i32
      %add3A_122 = arith.addi %mul3A_120, %add3A_121 : i32
      %ge3A_123 = arith.constant 2 : i32
      %ge3A_124 = arith.cmpi sge, %add3A_122, %ge3A_123 : i32
      %convert_element_type3A_125 = arith.extui %ge3A_124 : i1 to i32
      %cond3A_126 = arith.constant 0 : i32
      %cond3A_127 = arith.cmpi ne, %convert_element_type3A_125, %cond3A_126 : i32
      scf.if %cond3A_127 {
        %sub3A = arith.constant 2 : i32
        %sub3A_162 = arith.subi %add3A_122, %sub3A : i32
        %add3A_163 = arith.constant 0 : i32
        %add3A_164 = arith.addi %add3A_163, %mul3A_2 : i32
        %mul3A_165 = arith.constant 8 : i32
        %mul3A_166 = arith.muli %sub3A_162, %mul3A_165 : i32
        %add3A_167 = arith.addi %add3A_164, %mul3A_166 : i32
        %mul3A_168 = arith.constant 2048 : i32
        %mul3A_169 = arith.muli %add3A_167, %mul3A_168 : i32
        %add3A_170 = arith.constant 2048 : i32
        %add3A_171 = arith.addi %add3A_170, %mul3A_2 : i32
        %mul3A_172 = arith.constant 8 : i32
        %mul3A_173 = arith.muli %sub3A_162, %mul3A_172 : i32
        %add3A_174 = arith.addi %add3A_171, %mul3A_173 : i32
        %mul3A_175 = arith.constant 2048 : i32
        %mul3A_176 = arith.muli %add3A_174, %mul3A_175 : i32
        %dma_wait3A_177 = arith.constant 0 : i32
        %dma_wait3A_178 = tpu.memref_slice %arg6[%dma_wait3A_177] : memref<32768xf32, #tpu.memory_space<vmem>> -> memref<16384xf32, #tpu.memory_space<vmem>>
        %dma_wait3A_179 = tpu.memref_slice %arg3[%mul3A_169] : memref<8388608xf32, #tpu.memory_space<hbm>> -> memref<16384xf32, #tpu.memory_space<hbm>>
        %dma_wait3A_180 = tpu.memref_slice %arg3[%mul3A_169] : memref<8388608xf32, #tpu.memory_space<hbm>> -> memref<16384xf32, #tpu.memory_space<hbm>>
        %dma_wait3A_181 = arith.constant 0 : i32
        %dma_wait3A_182 = tpu.memref_slice %arg6[%dma_wait3A_181] : memref<32768xf32, #tpu.memory_space<vmem>> -> memref<16384xf32, #tpu.memory_space<vmem>>
        tpu.wait_dma2 semaphore(%arg8 : memref<!tpu.dma_semaphore, #tpu.memory_space<semaphore_mem>>) src(%dma_wait3A_182 : memref<16384xf32, #tpu.memory_space<vmem>>) dst(%dma_wait3A_180 : memref<16384xf32, #tpu.memory_space<hbm>>)
        %dma_wait3A_183 = arith.constant 16384 : i32
        %dma_wait3A_184 = tpu.memref_slice %arg6[%dma_wait3A_183] : memref<32768xf32, #tpu.memory_space<vmem>> -> memref<16384xf32, #tpu.memory_space<vmem>>
        %dma_wait3A_185 = tpu.memref_slice %arg3[%mul3A_176] : memref<8388608xf32, #tpu.memory_space<hbm>> -> memref<16384xf32, #tpu.memory_space<hbm>>
        %dma_wait3A_186 = tpu.memref_slice %arg3[%mul3A_176] : memref<8388608xf32, #tpu.memory_space<hbm>> -> memref<16384xf32, #tpu.memory_space<hbm>>
        %dma_wait3A_187 = arith.constant 16384 : i32
        %dma_wait3A_188 = tpu.memref_slice %arg6[%dma_wait3A_187] : memref<32768xf32, #tpu.memory_space<vmem>> -> memref<16384xf32, #tpu.memory_space<vmem>>
        tpu.wait_dma2 semaphore(%arg8 : memref<!tpu.dma_semaphore, #tpu.memory_space<semaphore_mem>>) src(%dma_wait3A_188 : memref<16384xf32, #tpu.memory_space<vmem>>) dst(%dma_wait3A_186 : memref<16384xf32, #tpu.memory_space<hbm>>)
        %sub3A_189 = arith.constant 2 : i32
        %sub3A_190 = arith.subi %add3A_122, %sub3A_189 : i32
        %scan3A_191 = arith.constant 0 : i32
        %scan3A_192 = arith.constant 0 : i32
        %scan3A_193 = arith.constant 128 : i32
        %scan3A_194 = arith.addi %scan3A_192, %scan3A_193 : i32
        %scan3A_195 = arith.constant 1 : i32
        %scan3A_196 = scf.for %scan3A_198 = %scan3A_192 to %scan3A_194 step %scan3A_195 iter_args(%scan3A_199 = %scan3A_191) -> (i32)  : i32 {
          %jit3A = arith.constant 16 : i32
          %div3A = arith.divsi %scan3A_198, %jit3A : i32
          %sign3A = arith.constant 0 : i32
          %sign3A_200 = arith.cmpi sgt, %scan3A_198, %sign3A : i32
          %sign3A_201 = arith.extui %sign3A_200 : i1 to i32
          %sign3A_202 = arith.constant 0 : i32
          %sign3A_203 = arith.cmpi slt, %scan3A_198, %sign3A_202 : i32
          %sign3A_204 = arith.extui %sign3A_203 : i1 to i32
          %sign3A_205 = arith.subi %sign3A_201, %sign3A_204 : i32
          %sign3A_206 = arith.constant 0 : i32
          %sign3A_207 = arith.cmpi sgt, %jit3A, %sign3A_206 : i32
          %sign3A_208 = arith.extui %sign3A_207 : i1 to i32
          %sign3A_209 = arith.constant 0 : i32
          %sign3A_210 = arith.cmpi slt, %jit3A, %sign3A_209 : i32
          %sign3A_211 = arith.extui %sign3A_210 : i1 to i32
          %sign3A_212 = arith.subi %sign3A_208, %sign3A_211 : i32
          %ne3A = arith.cmpi ne, %sign3A_205, %sign3A_212 : i32
          %rem3A = arith.remsi %scan3A_198, %jit3A : i32
          %ne3A_213 = arith.constant 0 : i32
          %ne3A_214 = arith.cmpi ne, %rem3A, %ne3A_213 : i32
          %and3A = arith.andi %ne3A, %ne3A_214 : i1
          %sub3A_215 = arith.constant 1 : i32
          %sub3A_216 = arith.subi %div3A, %sub3A_215 : i32
          %select_n3A = arith.select %and3A, %sub3A_216, %div3A : i32
          %jit3A_217 = arith.constant 8 : i32
          %div3A_218 = arith.divsi %scan3A_198, %jit3A_217 : i32
          %sign3A_219 = arith.constant 0 : i32
          %sign3A_220 = arith.cmpi sgt, %scan3A_198, %sign3A_219 : i32
          %sign3A_221 = arith.extui %sign3A_220 : i1 to i32
          %sign3A_222 = arith.constant 0 : i32
          %sign3A_223 = arith.cmpi slt, %scan3A_198, %sign3A_222 : i32
          %sign3A_224 = arith.extui %sign3A_223 : i1 to i32
          %sign3A_225 = arith.subi %sign3A_221, %sign3A_224 : i32
          %sign3A_226 = arith.constant 0 : i32
          %sign3A_227 = arith.cmpi sgt, %jit3A_217, %sign3A_226 : i32
          %sign3A_228 = arith.extui %sign3A_227 : i1 to i32
          %sign3A_229 = arith.constant 0 : i32
          %sign3A_230 = arith.cmpi slt, %jit3A_217, %sign3A_229 : i32
          %sign3A_231 = arith.extui %sign3A_230 : i1 to i32
          %sign3A_232 = arith.subi %sign3A_228, %sign3A_231 : i32
          %ne3A_233 = arith.cmpi ne, %sign3A_225, %sign3A_232 : i32
          %rem3A_234 = arith.remsi %scan3A_198, %jit3A_217 : i32
          %ne3A_235 = arith.constant 0 : i32
          %ne3A_236 = arith.cmpi ne, %rem3A_234, %ne3A_235 : i32
          %and3A_237 = arith.andi %ne3A_233, %ne3A_236 : i1
          %sub3A_238 = arith.constant 1 : i32
          %sub3A_239 = arith.subi %div3A_218, %sub3A_238 : i32
          %select_n3A_240 = arith.select %and3A_237, %sub3A_239, %div3A_218 : i32
          %jit3A_241 = arith.constant 2 : i32
          %eq3A = arith.constant 0 : i32
          %eq3A_242 = arith.cmpi eq, %jit3A_241, %eq3A : i32
          %jit3A_243 = arith.constant 1 : i32
          %select_n3A_244 = arith.select %eq3A_242, %jit3A_243, %jit3A_241 : i32
          %rem3A_245 = arith.remsi %select_n3A_240, %select_n3A_244 : i32
          %ne3A_246 = arith.constant 0 : i32
          %ne3A_247 = arith.cmpi ne, %rem3A_245, %ne3A_246 : i32
          %lt3A = arith.constant 0 : i32
          %lt3A_248 = arith.cmpi slt, %rem3A_245, %lt3A : i32
          %lt3A_249 = arith.constant 0 : i32
          %lt3A_250 = arith.cmpi slt, %select_n3A_244, %lt3A_249 : i32
          %ne3A_251 = arith.xori %lt3A_248, %lt3A_250 : i1
          %and3A_252 = arith.andi %ne3A_251, %ne3A_247 : i1
          %add3A_253 = arith.addi %rem3A_245, %select_n3A_244 : i32
          %select_n3A_254 = arith.select %and3A_252, %add3A_253, %rem3A_245 : i32
          %mul3A_255 = arith.constant 8 : i32
          %mul3A_256 = arith.muli %select_n3A_254, %mul3A_255 : i32
          %add3A_257 = arith.addi %mul3A_256, %select_n3A : i32
          %mul3A_258 = arith.constant 2048 : i32
          %mul3A_259 = arith.muli %add3A_257, %mul3A_258 : i32
          %mul3A_260 = arith.constant 8 : i32
          %mul3A_261 = arith.muli %sub3A_190, %mul3A_260 : i32
          %mul3A_262 = arith.constant 2 : i32
          %mul3A_263 = arith.muli %mul3A_261, %mul3A_262 : i32
          %mul3A_264 = arith.constant 128 : i32
          %mul3A_265 = arith.muli %mul3A_263, %mul3A_264 : i32
          %mul3A_266 = arith.constant 16 : i32
          %mul3A_267 = arith.muli %scan3A_198, %mul3A_266 : i32
          %add3A_268 = arith.addi %mul3A_265, %mul3A_267 : i32
          %get3A = arith.index_cast %add3A_268 : i32 to index
          %get3A_269 = tpu.vector_load %arg4[%get3A] {strides = array<i32>} : memref<16384xi32, #tpu.memory_space<vmem>>, vector<16xi32>,
          %add3A_270 = vector.broadcast %mul3A_259 : i32 to vector<16xi32>
          %add3A_271 = arith.addi %get3A_269, %add3A_270 : vector<16xi32>
          tpu.vector_store_idx %arg6[%add3A_271], %neg3A_24 {add = true} : memref<32768xf32, #tpu.memory_space<vmem>>[vector<16xi32>], vector<16xf32>,
          %scan3A_272 = arith.constant 0 : i32
          scf.yield %scan3A_272 : i32
        }
        %scan3A_197 = arith.constant 128 : i32
      } else {
      }
      %scan3A_128 = arith.constant 0 : i32
      %scan3A_129 = arith.constant 0 : i32
      %scan3A_130 = arith.constant 128 : i32
      %scan3A_131 = arith.addi %scan3A_129, %scan3A_130 : i32
      %scan3A_132 = arith.constant 1 : i32
      %scan3A_133 = scf.for %scan3A_162 = %scan3A_129 to %scan3A_131 step %scan3A_132 iter_args(%scan3A_163 = %scan3A_128) -> (i32)  : i32 {
        %jit3A = arith.constant 16 : i32
        %div3A = arith.divsi %scan3A_162, %jit3A : i32
        %sign3A = arith.constant 0 : i32
        %sign3A_164 = arith.cmpi sgt, %scan3A_162, %sign3A : i32
        %sign3A_165 = arith.extui %sign3A_164 : i1 to i32
        %sign3A_166 = arith.constant 0 : i32
        %sign3A_167 = arith.cmpi slt, %scan3A_162, %sign3A_166 : i32
        %sign3A_168 = arith.extui %sign3A_167 : i1 to i32
        %sign3A_169 = arith.subi %sign3A_165, %sign3A_168 : i32
        %sign3A_170 = arith.constant 0 : i32
        %sign3A_171 = arith.cmpi sgt, %jit3A, %sign3A_170 : i32
        %sign3A_172 = arith.extui %sign3A_171 : i1 to i32
        %sign3A_173 = arith.constant 0 : i32
        %sign3A_174 = arith.cmpi slt, %jit3A, %sign3A_173 : i32
        %sign3A_175 = arith.extui %sign3A_174 : i1 to i32
        %sign3A_176 = arith.subi %sign3A_172, %sign3A_175 : i32
        %ne3A = arith.cmpi ne, %sign3A_169, %sign3A_176 : i32
        %rem3A = arith.remsi %scan3A_162, %jit3A : i32
        %ne3A_177 = arith.constant 0 : i32
        %ne3A_178 = arith.cmpi ne, %rem3A, %ne3A_177 : i32
        %and3A = arith.andi %ne3A, %ne3A_178 : i1
        %sub3A = arith.constant 1 : i32
        %sub3A_179 = arith.subi %div3A, %sub3A : i32
        %select_n3A = arith.select %and3A, %sub3A_179, %div3A : i32
        %jit3A_180 = arith.constant 8 : i32
        %div3A_181 = arith.divsi %scan3A_162, %jit3A_180 : i32
        %sign3A_182 = arith.constant 0 : i32
        %sign3A_183 = arith.cmpi sgt, %scan3A_162, %sign3A_182 : i32
        %sign3A_184 = arith.extui %sign3A_183 : i1 to i32
        %sign3A_185 = arith.constant 0 : i32
        %sign3A_186 = arith.cmpi slt, %scan3A_162, %sign3A_185 : i32
        %sign3A_187 = arith.extui %sign3A_186 : i1 to i32
        %sign3A_188 = arith.subi %sign3A_184, %sign3A_187 : i32
        %sign3A_189 = arith.constant 0 : i32
        %sign3A_190 = arith.cmpi sgt, %jit3A_180, %sign3A_189 : i32
        %sign3A_191 = arith.extui %sign3A_190 : i1 to i32
        %sign3A_192 = arith.constant 0 : i32
        %sign3A_193 = arith.cmpi slt, %jit3A_180, %sign3A_192 : i32
        %sign3A_194 = arith.extui %sign3A_193 : i1 to i32
        %sign3A_195 = arith.subi %sign3A_191, %sign3A_194 : i32
        %ne3A_196 = arith.cmpi ne, %sign3A_188, %sign3A_195 : i32
        %rem3A_197 = arith.remsi %scan3A_162, %jit3A_180 : i32
        %ne3A_198 = arith.constant 0 : i32
        %ne3A_199 = arith.cmpi ne, %rem3A_197, %ne3A_198 : i32
        %and3A_200 = arith.andi %ne3A_196, %ne3A_199 : i1
        %sub3A_201 = arith.constant 1 : i32
        %sub3A_202 = arith.subi %div3A_181, %sub3A_201 : i32
        %select_n3A_203 = arith.select %and3A_200, %sub3A_202, %div3A_181 : i32
        %jit3A_204 = arith.constant 2 : i32
        %eq3A = arith.constant 0 : i32
        %eq3A_205 = arith.cmpi eq, %jit3A_204, %eq3A : i32
        %jit3A_206 = arith.constant 1 : i32
        %select_n3A_207 = arith.select %eq3A_205, %jit3A_206, %jit3A_204 : i32
        %rem3A_208 = arith.remsi %select_n3A_203, %select_n3A_207 : i32
        %ne3A_209 = arith.constant 0 : i32
        %ne3A_210 = arith.cmpi ne, %rem3A_208, %ne3A_209 : i32
        %lt3A = arith.constant 0 : i32
        %lt3A_211 = arith.cmpi slt, %rem3A_208, %lt3A : i32
        %lt3A_212 = arith.constant 0 : i32
        %lt3A_213 = arith.cmpi slt, %select_n3A_207, %lt3A_212 : i32
        %ne3A_214 = arith.xori %lt3A_211, %lt3A_213 : i1
        %and3A_215 = arith.andi %ne3A_214, %ne3A_210 : i1
        %add3A_216 = arith.addi %rem3A_208, %select_n3A_207 : i32
        %select_n3A_217 = arith.select %and3A_215, %add3A_216, %rem3A_208 : i32
        %mul3A_218 = arith.constant 8 : i32
        %mul3A_219 = arith.muli %select_n3A_217, %mul3A_218 : i32
        %add3A_220 = arith.addi %mul3A_219, %select_n3A : i32
        %mul3A_221 = arith.constant 2048 : i32
        %mul3A_222 = arith.muli %add3A_220, %mul3A_221 : i32
        %mul3A_223 = arith.constant 8 : i32
        %mul3A_224 = arith.muli %add3A_122, %mul3A_223 : i32
        %mul3A_225 = arith.constant 2 : i32
        %mul3A_226 = arith.muli %mul3A_224, %mul3A_225 : i32
        %mul3A_227 = arith.constant 128 : i32
        %mul3A_228 = arith.muli %mul3A_226, %mul3A_227 : i32
        %mul3A_229 = arith.constant 16 : i32
        %mul3A_230 = arith.muli %scan3A_162, %mul3A_229 : i32
        %add3A_231 = arith.addi %mul3A_228, %mul3A_230 : i32
        %get3A = arith.index_cast %add3A_231 : i32 to index
        %get3A_232 = tpu.vector_load %arg4[%get3A] {strides = array<i32>} : memref<16384xi32, #tpu.memory_space<vmem>>, vector<16xi32>,
        %add3A_233 = vector.broadcast %mul3A_222 : i32 to vector<16xi32>
        %add3A_234 = arith.addi %get3A_232, %add3A_233 : vector<16xi32>
        tpu.vector_store_idx %arg6[%add3A_234], %broadcast_in_dim3A_22 {add = true} : memref<32768xf32, #tpu.memory_space<vmem>>[vector<16xi32>], vector<16xf32>,
        %scan3A_235 = arith.constant 0 : i32
        scf.yield %scan3A_235 : i32
      }
      %scan3A_134 = arith.constant 128 : i32
      %add3A_135 = arith.constant 0 : i32
      %add3A_136 = arith.addi %add3A_135, %mul3A_2 : i32
      %mul3A_137 = arith.constant 8 : i32
      %mul3A_138 = arith.muli %add3A_122, %mul3A_137 : i32
      %add3A_139 = arith.addi %add3A_136, %mul3A_138 : i32
      %mul3A_140 = arith.constant 2048 : i32
      %mul3A_141 = arith.muli %add3A_139, %mul3A_140 : i32
      %add3A_142 = arith.constant 2048 : i32
      %add3A_143 = arith.addi %add3A_142, %mul3A_2 : i32
      %mul3A_144 = arith.constant 8 : i32
      %mul3A_145 = arith.muli %add3A_122, %mul3A_144 : i32
      %add3A_146 = arith.addi %add3A_143, %mul3A_145 : i32
      %mul3A_147 = arith.constant 2048 : i32
      %mul3A_148 = arith.muli %add3A_146, %mul3A_147 : i32
      %dma_start3A_149 = arith.constant 0 : i32
      %dma_start3A_150 = tpu.memref_slice %arg6[%dma_start3A_149] : memref<32768xf32, #tpu.memory_space<vmem>> -> memref<16384xf32, #tpu.memory_space<vmem>>
      %dma_start3A_151 = tpu.memref_slice %arg3[%mul3A_141] : memref<8388608xf32, #tpu.memory_space<hbm>> -> memref<16384xf32, #tpu.memory_space<hbm>>
      %dma_start3A_152 = tpu.memref_slice %arg3[%mul3A_141] : memref<8388608xf32, #tpu.memory_space<hbm>> -> memref<16384xf32, #tpu.memory_space<hbm>>
      %dma_start3A_153 = arith.constant 0 : i32
      %dma_start3A_154 = tpu.memref_slice %arg6[%dma_start3A_153] : memref<32768xf32, #tpu.memory_space<vmem>> -> memref<16384xf32, #tpu.memory_space<vmem>>
      tpu.enqueue_dma source(%dma_start3A_154 : memref<16384xf32, #tpu.memory_space<vmem>>) target(%dma_start3A_152 : memref<16384xf32, #tpu.memory_space<hbm>>) target_semaphore(%arg8 : memref<!tpu.dma_semaphore, #tpu.memory_space<semaphore_mem>>)
      %dma_start3A_155 = arith.constant 16384 : i32
      %dma_start3A_156 = tpu.memref_slice %arg6[%dma_start3A_155] : memref<32768xf32, #tpu.memory_space<vmem>> -> memref<16384xf32, #tpu.memory_space<vmem>>
      %dma_start3A_157 = tpu.memref_slice %arg3[%mul3A_148] : memref<8388608xf32, #tpu.memory_space<hbm>> -> memref<16384xf32, #tpu.memory_space<hbm>>
      %dma_start3A_158 = tpu.memref_slice %arg3[%mul3A_148] : memref<8388608xf32, #tpu.memory_space<hbm>> -> memref<16384xf32, #tpu.memory_space<hbm>>
      %dma_start3A_159 = arith.constant 16384 : i32
      %dma_start3A_160 = tpu.memref_slice %arg6[%dma_start3A_159] : memref<32768xf32, #tpu.memory_space<vmem>> -> memref<16384xf32, #tpu.memory_space<vmem>>
      tpu.enqueue_dma source(%dma_start3A_160 : memref<16384xf32, #tpu.memory_space<vmem>>) target(%dma_start3A_158 : memref<16384xf32, #tpu.memory_space<hbm>>) target_semaphore(%arg8 : memref<!tpu.dma_semaphore, #tpu.memory_space<semaphore_mem>>)
      %scan3A_161 = arith.constant 0 : i32
      scf.yield %scan3A_161 : i32
    }
    %scan3A_31 = arith.constant 4 : i32
    %add3A_32 = arith.constant 0 : i32
    %add3A_33 = arith.addi %add3A_32, %mul3A_2 : i32
    %add3A_34 = arith.constant 48 : i32
    %add3A_35 = arith.addi %add3A_33, %add3A_34 : i32
    %mul3A_36 = arith.constant 2048 : i32
    %mul3A_37 = arith.muli %add3A_35, %mul3A_36 : i32
    %add3A_38 = arith.constant 2048 : i32
    %add3A_39 = arith.addi %add3A_38, %mul3A_2 : i32
    %add3A_40 = arith.constant 48 : i32
    %add3A_41 = arith.addi %add3A_39, %add3A_40 : i32
    %mul3A_42 = arith.constant 2048 : i32
    %mul3A_43 = arith.muli %add3A_41, %mul3A_42 : i32
    %dma_wait3A = arith.constant 0 : i32
    %dma_wait3A_44 = tpu.memref_slice %arg5[%dma_wait3A] : memref<32768xf32, #tpu.memory_space<vmem>> -> memref<16384xf32, #tpu.memory_space<vmem>>
    %dma_wait3A_45 = tpu.memref_slice %arg3[%mul3A_37] : memref<8388608xf32, #tpu.memory_space<hbm>> -> memref<16384xf32, #tpu.memory_space<hbm>>
    %dma_wait3A_46 = tpu.memref_slice %arg3[%mul3A_37] : memref<8388608xf32, #tpu.memory_space<hbm>> -> memref<16384xf32, #tpu.memory_space<hbm>>
    %dma_wait3A_47 = arith.constant 0 : i32
    %dma_wait3A_48 = tpu.memref_slice %arg5[%dma_wait3A_47] : memref<32768xf32, #tpu.memory_space<vmem>> -> memref<16384xf32, #tpu.memory_space<vmem>>
    tpu.wait_dma2 semaphore(%arg7 : memref<!tpu.dma_semaphore, #tpu.memory_space<semaphore_mem>>) src(%dma_wait3A_48 : memref<16384xf32, #tpu.memory_space<vmem>>) dst(%dma_wait3A_46 : memref<16384xf32, #tpu.memory_space<hbm>>)
    %dma_wait3A_49 = arith.constant 16384 : i32
    %dma_wait3A_50 = tpu.memref_slice %arg5[%dma_wait3A_49] : memref<32768xf32, #tpu.memory_space<vmem>> -> memref<16384xf32, #tpu.memory_space<vmem>>
    %dma_wait3A_51 = tpu.memref_slice %arg3[%mul3A_43] : memref<8388608xf32, #tpu.memory_space<hbm>> -> memref<16384xf32, #tpu.memory_space<hbm>>
    %dma_wait3A_52 = tpu.memref_slice %arg3[%mul3A_43] : memref<8388608xf32, #tpu.memory_space<hbm>> -> memref<16384xf32, #tpu.memory_space<hbm>>
    %dma_wait3A_53 = arith.constant 16384 : i32
    %dma_wait3A_54 = tpu.memref_slice %arg5[%dma_wait3A_53] : memref<32768xf32, #tpu.memory_space<vmem>> -> memref<16384xf32, #tpu.memory_space<vmem>>
    tpu.wait_dma2 semaphore(%arg7 : memref<!tpu.dma_semaphore, #tpu.memory_space<semaphore_mem>>) src(%dma_wait3A_54 : memref<16384xf32, #tpu.memory_space<vmem>>) dst(%dma_wait3A_52 : memref<16384xf32, #tpu.memory_space<hbm>>)
    %add3A_55 = arith.constant 0 : i32
    %add3A_56 = arith.addi %add3A_55, %mul3A_2 : i32
    %add3A_57 = arith.constant 56 : i32
    %add3A_58 = arith.addi %add3A_56, %add3A_57 : i32
    %mul3A_59 = arith.constant 2048 : i32
    %mul3A_60 = arith.muli %add3A_58, %mul3A_59 : i32
    %add3A_61 = arith.constant 2048 : i32
    %add3A_62 = arith.addi %add3A_61, %mul3A_2 : i32
    %add3A_63 = arith.constant 56 : i32
    %add3A_64 = arith.addi %add3A_62, %add3A_63 : i32
    %mul3A_65 = arith.constant 2048 : i32
    %mul3A_66 = arith.muli %add3A_64, %mul3A_65 : i32
    %dma_wait3A_67 = arith.constant 0 : i32
    %dma_wait3A_68 = tpu.memref_slice %arg6[%dma_wait3A_67] : memref<32768xf32, #tpu.memory_space<vmem>> -> memref<16384xf32, #tpu.memory_space<vmem>>
    %dma_wait3A_69 = tpu.memref_slice %arg3[%mul3A_60] : memref<8388608xf32, #tpu.memory_space<hbm>> -> memref<16384xf32, #tpu.memory_space<hbm>>
    %dma_wait3A_70 = tpu.memref_slice %arg3[%mul3A_60] : memref<8388608xf32, #tpu.memory_space<hbm>> -> memref<16384xf32, #tpu.memory_space<hbm>>
    %dma_wait3A_71 = arith.constant 0 : i32
    %dma_wait3A_72 = tpu.memref_slice %arg6[%dma_wait3A_71] : memref<32768xf32, #tpu.memory_space<vmem>> -> memref<16384xf32, #tpu.memory_space<vmem>>
    tpu.wait_dma2 semaphore(%arg8 : memref<!tpu.dma_semaphore, #tpu.memory_space<semaphore_mem>>) src(%dma_wait3A_72 : memref<16384xf32, #tpu.memory_space<vmem>>) dst(%dma_wait3A_70 : memref<16384xf32, #tpu.memory_space<hbm>>)
    %dma_wait3A_73 = arith.constant 16384 : i32
    %dma_wait3A_74 = tpu.memref_slice %arg6[%dma_wait3A_73] : memref<32768xf32, #tpu.memory_space<vmem>> -> memref<16384xf32, #tpu.memory_space<vmem>>
    %dma_wait3A_75 = tpu.memref_slice %arg3[%mul3A_66] : memref<8388608xf32, #tpu.memory_space<hbm>> -> memref<16384xf32, #tpu.memory_space<hbm>>
    %dma_wait3A_76 = tpu.memref_slice %arg3[%mul3A_66] : memref<8388608xf32, #tpu.memory_space<hbm>> -> memref<16384xf32, #tpu.memory_space<hbm>>
    %dma_wait3A_77 = arith.constant 16384 : i32
    %dma_wait3A_78 = tpu.memref_slice %arg6[%dma_wait3A_77] : memref<32768xf32, #tpu.memory_space<vmem>> -> memref<16384xf32, #tpu.memory_space<vmem>>
    tpu.wait_dma2 semaphore(%arg8 : memref<!tpu.dma_semaphore, #tpu.memory_space<semaphore_mem>>) src(%dma_wait3A_78 : memref<16384xf32, #tpu.memory_space<vmem>>) dst(%dma_wait3A_76 : memref<16384xf32, #tpu.memory_space<hbm>>)
    return
  }
}

module attributes {stable_mosaic.version = 14 : i64} {
  func.func @_attn_body(%arg0: i32, %arg1: i32, %arg2: memref<1x128x16x128xi16, #tpu.memory_space<vmem>>, %arg3: memref<2048x128xbf16, #tpu.memory_space<vmem>>, %arg4: memref<2048x128xbf16, #tpu.memory_space<vmem>>, %arg5: memref<128x2048xf32, #tpu.memory_space<vmem>>, %arg6: memref<1x128x16x128xi16, #tpu.memory_space<vmem>>) attributes {dimension_semantics = [#tpu.dimension_semantics<parallel>, #tpu.dimension_semantics<arbitrary>], iteration_bounds = array<i64: 2, 16>, scalar_prefetch = 0 : i64, scratch_operands = 0 : i64, tpu.core_type = #tpu.core_type<tc>, window_params = [{transform_indices = @transform_0, window_bounds = array<i64: 1, 128, 16, 128>}, {transform_indices = @transform_1, window_bounds = array<i64: 2048, 128>}, {transform_indices = @transform_2, window_bounds = array<i64: 2048, 128>}, {transform_indices = @transform_3, window_bounds = array<i64: 128, 2048>}, {transform_indices = @transform_4, window_bounds = array<i64: 1, 128, 16, 128>}]} {
    %get3A = arith.constant 0 : index
    %get3A_0 = arith.constant 0 : index
    %get3A_1 = arith.constant 0 : index
    %get3A_2 = arith.constant 0 : index
    %get3A_3 = vector.load %arg2[%get3A, %get3A_0, %get3A_1, %get3A_2] : memref<1x128x16x128xi16, #tpu.memory_space<vmem>>, vector<1x128x16x128xi16>
    %get3A_4 = vector.shape_cast %get3A_3 : vector<1x128x16x128xi16> to vector<128x16x128xi16>
    %reshape3A = vector.shape_cast %get3A_4 : vector<128x16x128xi16> to vector<2048x128xi16>
    %convert_element_type3A = arith.extui %reshape3A : vector<2048x128xi16> to vector<2048x128xi32>
    %and3A = arith.constant 32768 : i32
    %and3A_5 = vector.broadcast %and3A : i32 to vector<2048x128xi32>
    %and3A_6 = arith.andi %convert_element_type3A, %and3A_5 : vector<2048x128xi32>
    %shift_left3A = arith.constant 16 : i32
    %shift_left3A_7 = vector.broadcast %shift_left3A : i32 to vector<2048x128xi32>
    %shift_left3A_8 = arith.shli %and3A_6, %shift_left3A_7 : vector<2048x128xi32>
    %and3A_9 = arith.constant 32767 : i32
    %and3A_10 = vector.broadcast %and3A_9 : i32 to vector<2048x128xi32>
    %and3A_11 = arith.andi %convert_element_type3A, %and3A_10 : vector<2048x128xi32>
    %shift_left3A_12 = arith.constant 13 : i32
    %shift_left3A_13 = vector.broadcast %shift_left3A_12 : i32 to vector<2048x128xi32>
    %shift_left3A_14 = arith.shli %and3A_11, %shift_left3A_13 : vector<2048x128xi32>
    %or3A = arith.ori %shift_left3A_8, %shift_left3A_14 : vector<2048x128xi32>
    %bitcast_convert_type3A = tpu.bitcast %or3A : vector<2048x128xi32> -> vector<2048x128xf32>
    %mul3A = arith.constant 5.19229686E+33 : f32
    %mul3A_15 = vector.broadcast %mul3A : f32 to vector<2048x128xf32>
    %mul3A_16 = arith.mulf %bitcast_convert_type3A, %mul3A_15 : vector<2048x128xf32>
    %convert_element_type3A_17 = arith.truncf %mul3A_16 : vector<2048x128xf32> to vector<2048x128xbf16>
    %get3A_18 = arith.constant 0 : index
    %get3A_19 = arith.constant 0 : index
    %get3A_20 = vector.load %arg3[%get3A_18, %get3A_19] : memref<2048x128xbf16, #tpu.memory_space<vmem>>, vector<2048x128xbf16>
    %get3A_21 = arith.constant 0 : index
    %get3A_22 = arith.constant 0 : index
    %get3A_23 = vector.load %arg4[%get3A_21, %get3A_22] : memref<2048x128xbf16, #tpu.memory_space<vmem>>, vector<2048x128xbf16>
    %get3A_24 = arith.constant 0 : index
    %get3A_25 = arith.constant 0 : index
    %get3A_26 = vector.load %arg5[%get3A_24, %get3A_25] : memref<128x2048xf32, #tpu.memory_space<vmem>>, vector<128x2048xf32>
    %dot_general3A = arith.constant dense<0.000000e+00> : vector<2048x2048xf32>
    %dot_general3A_27 = tpu.matmul %convert_element_type3A_17, %get3A_20, %dot_general3A {dimension_numbers = #tpu.dot_dimension_numbers<[1], [1], [0], [0], [0, 0, 1, 0], [], []>, transpose_lhs_hint = false} : vector<2048x128xbf16>, vector<2048x128xbf16>, vector<2048x2048xf32> -> vector<2048x2048xf32>
    %exp23A = math.exp2 %dot_general3A_27 : vector<2048x2048xf32>
    %reshape3A_28 = vector.shape_cast %exp23A : vector<2048x2048xf32> to vector<128x16x2048xf32>
    %broadcast_in_dim3A = vector.shape_cast %get3A_26 : vector<128x2048xf32> to vector<128x1x2048xf32>
    %mul3A_29 = vector.broadcast %broadcast_in_dim3A : vector<128x1x2048xf32> to vector<128x16x2048xf32>
    %mul3A_30 = arith.mulf %reshape3A_28, %mul3A_29 : vector<128x16x2048xf32>
    %reduce_sum3A = arith.constant dense<0.000000e+00> : vector<128x16xf32>
    %reduce_sum3A_31 = vector.multi_reduction <add>, %mul3A_30, %reduce_sum3A [2] : vector<128x16x2048xf32> to vector<128x16xf32>
    %broadcast_in_dim3A_32 = vector.shape_cast %reduce_sum3A_31 : vector<128x16xf32> to vector<128x16x1xf32>
    %convert_element_type3A_33 = arith.truncf %mul3A_30 : vector<128x16x2048xf32> to vector<128x16x2048xbf16>
    %reshape3A_34 = vector.shape_cast %convert_element_type3A_33 : vector<128x16x2048xbf16> to vector<2048x2048xbf16>
    %dot_general3A_35 = arith.constant dense<0.000000e+00> : vector<2048x128xf32>
    %dot_general3A_36 = tpu.matmul %reshape3A_34, %get3A_23, %dot_general3A_35 {dimension_numbers = #tpu.dot_dimension_numbers<[1], [0], [0], [1], [0, 0, 1, 1], [], []>, transpose_lhs_hint = false} : vector<2048x2048xbf16>, vector<2048x128xbf16>, vector<2048x128xf32> -> vector<2048x128xf32>
    %reshape3A_37 = vector.shape_cast %broadcast_in_dim3A_32 : vector<128x16x1xf32> to vector<2048x1xf32>
    %div3A = arith.constant 1.925930e-34 : f32
    %div3A_38 = vector.broadcast %div3A : f32 to vector<2048x1xf32>
    %div3A_39 = arith.divf %div3A_38, %reshape3A_37 : vector<2048x1xf32>
    %mul3A_40 = vector.broadcast %div3A_39 : vector<2048x1xf32> to vector<2048x128xf32>
    %mul3A_41 = arith.mulf %dot_general3A_36, %mul3A_40 : vector<2048x128xf32>
    %bitcast_convert_type3A_42 = tpu.bitcast %mul3A_41 : vector<2048x128xf32> -> vector<2048x128xi32>
    %shift_right_logical3A = arith.constant 13 : i32
    %shift_right_logical3A_43 = vector.broadcast %shift_right_logical3A : i32 to vector<2048x128xi32>
    %shift_right_logical3A_44 = arith.shrui %bitcast_convert_type3A_42, %shift_right_logical3A_43 : vector<2048x128xi32>
    %and3A_45 = arith.constant 1 : i32
    %and3A_46 = vector.broadcast %and3A_45 : i32 to vector<2048x128xi32>
    %and3A_47 = arith.andi %shift_right_logical3A_44, %and3A_46 : vector<2048x128xi32>
    %add3A = arith.constant 4095 : i32
    %add3A_48 = vector.broadcast %add3A : i32 to vector<2048x128xi32>
    %add3A_49 = arith.addi %bitcast_convert_type3A_42, %add3A_48 : vector<2048x128xi32>
    %add3A_50 = arith.addi %add3A_49, %and3A_47 : vector<2048x128xi32>
    %shift_right_logical3A_51 = arith.constant 16 : i32
    %shift_right_logical3A_52 = vector.broadcast %shift_right_logical3A_51 : i32 to vector<2048x128xi32>
    %shift_right_logical3A_53 = arith.shrui %add3A_50, %shift_right_logical3A_52 : vector<2048x128xi32>
    %and3A_54 = arith.constant 32768 : i32
    %and3A_55 = vector.broadcast %and3A_54 : i32 to vector<2048x128xi32>
    %and3A_56 = arith.andi %shift_right_logical3A_53, %and3A_55 : vector<2048x128xi32>
    %shift_right_logical3A_57 = arith.constant 13 : i32
    %shift_right_logical3A_58 = vector.broadcast %shift_right_logical3A_57 : i32 to vector<2048x128xi32>
    %shift_right_logical3A_59 = arith.shrui %add3A_50, %shift_right_logical3A_58 : vector<2048x128xi32>
    %and3A_60 = arith.constant 32767 : i32
    %and3A_61 = vector.broadcast %and3A_60 : i32 to vector<2048x128xi32>
    %and3A_62 = arith.andi %shift_right_logical3A_59, %and3A_61 : vector<2048x128xi32>
    %or3A_63 = arith.ori %and3A_56, %and3A_62 : vector<2048x128xi32>
    %convert_element_type3A_64 = arith.trunci %or3A_63 : vector<2048x128xi32> to vector<2048x128xi16>
    %reshape3A_65 = vector.shape_cast %convert_element_type3A_64 : vector<2048x128xi16> to vector<128x16x128xi16>
    %swap3A = arith.constant 0 : index
    %swap3A_66 = arith.constant 0 : index
    %swap3A_67 = arith.constant 0 : index
    %swap3A_68 = arith.constant 0 : index
    %swap3A_69 = vector.load %arg6[%swap3A, %swap3A_66, %swap3A_67, %swap3A_68] : memref<1x128x16x128xi16, #tpu.memory_space<vmem>>, vector<1x128x16x128xi16>
    %swap3A_70 = vector.shape_cast %swap3A_69 : vector<1x128x16x128xi16> to vector<128x16x128xi16>
    %swap3A_71 = vector.shape_cast %reshape3A_65 : vector<128x16x128xi16> to vector<1x128x16x128xi16>
    tpu.vector_store %arg6[%swap3A, %swap3A_66, %swap3A_67, %swap3A_68], %swap3A_71 {strides = array<i32>} : memref<1x128x16x128xi16, #tpu.memory_space<vmem>>, vector<1x128x16x128xi16>,
    return
  }
  func.func @transform_0(%arg0: i32, %arg1: i32) -> (i32, i32, i32, i32) {
    %c0_i32 = arith.constant 0 : i32
    %c0_i32_0 = arith.constant 0 : i32
    %c0_i32_1 = arith.constant 0 : i32
    return %c0_i32, %arg1, %arg0, %c0_i32_0 : i32, i32, i32, i32
  }
  func.func @transform_1(%arg0: i32, %arg1: i32) -> (i32, i32) {
    %add3A = arith.constant 0 : i32
    %add3A_0 = arith.addi %add3A, %arg0 : i32
    %c0_i32 = arith.constant 0 : i32
    %c0_i32_1 = arith.constant 0 : i32
    return %add3A_0, %c0_i32 : i32, i32
  }
  func.func @transform_2(%arg0: i32, %arg1: i32) -> (i32, i32) {
    %add3A = arith.constant 0 : i32
    %add3A_0 = arith.addi %add3A, %arg0 : i32
    %c0_i32 = arith.constant 0 : i32
    %c0_i32_1 = arith.constant 0 : i32
    return %add3A_0, %c0_i32 : i32, i32
  }
  func.func @transform_3(%arg0: i32, %arg1: i32) -> (i32, i32) {
    %mul3A = arith.constant 16 : i32
    %mul3A_0 = arith.muli %arg0, %mul3A : i32
    %add3A = arith.addi %mul3A_0, %arg1 : i32
    %c0_i32 = arith.constant 0 : i32
    %c0_i32_1 = arith.constant 0 : i32
    return %add3A, %c0_i32 : i32, i32
  }
  func.func @transform_4(%arg0: i32, %arg1: i32) -> (i32, i32, i32, i32) {
    %c0_i32 = arith.constant 0 : i32
    %c0_i32_0 = arith.constant 0 : i32
    %c0_i32_1 = arith.constant 0 : i32
    return %c0_i32, %arg1, %arg0, %c0_i32_0 : i32, i32, i32, i32
  }
}

module attributes {stable_mosaic.version = 14 : i64} {
  func.func @_attn_body(%arg0: i32, %arg1: i32, %arg2: memref<1x128x16x128xi16, #tpu.memory_space<vmem>>, %arg3: memref<2048x128xbf16, #tpu.memory_space<vmem>>, %arg4: memref<2048x128xbf16, #tpu.memory_space<vmem>>, %arg5: memref<128x2048xf32, #tpu.memory_space<vmem>>, %arg6: memref<1x128x16x128xi16, #tpu.memory_space<vmem>>) attributes {dimension_semantics = [#tpu.dimension_semantics<parallel>, #tpu.dimension_semantics<arbitrary>], iteration_bounds = array<i64: 2, 16>, scalar_prefetch = 0 : i64, scratch_operands = 0 : i64, tpu.core_type = #tpu.core_type<tc>, window_params = [{transform_indices = @transform_0, window_bounds = array<i64: 1, 128, 16, 128>}, {transform_indices = @transform_1, window_bounds = array<i64: 2048, 128>}, {transform_indices = @transform_2, window_bounds = array<i64: 2048, 128>}, {transform_indices = @transform_3, window_bounds = array<i64: 128, 2048>}, {transform_indices = @transform_4, window_bounds = array<i64: 1, 128, 16, 128>}]} {
    %get3A = arith.constant 0 : index
    %get3A_0 = arith.constant 0 : index
    %get3A_1 = arith.constant 0 : index
    %get3A_2 = arith.constant 0 : index
    %get3A_3 = vector.load %arg2[%get3A, %get3A_0, %get3A_1, %get3A_2] : memref<1x128x16x128xi16, #tpu.memory_space<vmem>>, vector<1x128x16x128xi16>
    %get3A_4 = vector.shape_cast %get3A_3 : vector<1x128x16x128xi16> to vector<128x16x128xi16>
    %reshape3A = vector.shape_cast %get3A_4 : vector<128x16x128xi16> to vector<2048x128xi16>
    %convert_element_type3A = arith.extui %reshape3A : vector<2048x128xi16> to vector<2048x128xi32>
    %and3A = arith.constant 32768 : i32
    %and3A_5 = vector.broadcast %and3A : i32 to vector<2048x128xi32>
    %and3A_6 = arith.andi %convert_element_type3A, %and3A_5 : vector<2048x128xi32>
    %shift_left3A = arith.constant 16 : i32
    %shift_left3A_7 = vector.broadcast %shift_left3A : i32 to vector<2048x128xi32>
    %shift_left3A_8 = arith.shli %and3A_6, %shift_left3A_7 : vector<2048x128xi32>
    %and3A_9 = arith.constant 32767 : i32
    %and3A_10 = vector.broadcast %and3A_9 : i32 to vector<2048x128xi32>
    %and3A_11 = arith.andi %convert_element_type3A, %and3A_10 : vector<2048x128xi32>
    %shift_left3A_12 = arith.constant 13 : i32
    %shift_left3A_13 = vector.broadcast %shift_left3A_12 : i32 to vector<2048x128xi32>
    %shift_left3A_14 = arith.shli %and3A_11, %shift_left3A_13 : vector<2048x128xi32>
    %or3A = arith.ori %shift_left3A_8, %shift_left3A_14 : vector<2048x128xi32>
    %bitcast_convert_type3A = tpu.bitcast %or3A : vector<2048x128xi32> -> vector<2048x128xf32>
    %mul3A = arith.constant 5.19229686E+33 : f32
    %mul3A_15 = vector.broadcast %mul3A : f32 to vector<2048x128xf32>
    %mul3A_16 = arith.mulf %bitcast_convert_type3A, %mul3A_15 : vector<2048x128xf32>
    %convert_element_type3A_17 = arith.truncf %mul3A_16 : vector<2048x128xf32> to vector<2048x128xbf16>
    %get3A_18 = arith.constant 0 : index
    %get3A_19 = arith.constant 0 : index
    %get3A_20 = vector.load %arg3[%get3A_18, %get3A_19] : memref<2048x128xbf16, #tpu.memory_space<vmem>>, vector<2048x128xbf16>
    %get3A_21 = arith.constant 0 : index
    %get3A_22 = arith.constant 0 : index
    %get3A_23 = vector.load %arg4[%get3A_21, %get3A_22] : memref<2048x128xbf16, #tpu.memory_space<vmem>>, vector<2048x128xbf16>
    %get3A_24 = arith.constant 0 : index
    %get3A_25 = arith.constant 0 : index
    %get3A_26 = vector.load %arg5[%get3A_24, %get3A_25] : memref<128x2048xf32, #tpu.memory_space<vmem>>, vector<128x2048xf32>
    %dot_general3A = arith.constant dense<0.000000e+00> : vector<2048x2048xf32>
    %dot_general3A_27 = tpu.matmul %convert_element_type3A_17, %get3A_20, %dot_general3A {dimension_numbers = #tpu.dot_dimension_numbers<[1], [1], [0], [0], [0, 0, 1, 0], [], []>, transpose_lhs_hint = false} : vector<2048x128xbf16>, vector<2048x128xbf16>, vector<2048x2048xf32> -> vector<2048x2048xf32>
    %exp23A = math.exp2 %dot_general3A_27 : vector<2048x2048xf32>
    %reshape3A_28 = vector.shape_cast %exp23A : vector<2048x2048xf32> to vector<128x16x2048xf32>
    %broadcast_in_dim3A = vector.shape_cast %get3A_26 : vector<128x2048xf32> to vector<128x1x2048xf32>
    %mul3A_29 = vector.broadcast %broadcast_in_dim3A : vector<128x1x2048xf32> to vector<128x16x2048xf32>
    %mul3A_30 = arith.mulf %reshape3A_28, %mul3A_29 : vector<128x16x2048xf32>
    %reduce_sum3A = arith.constant dense<0.000000e+00> : vector<128x16xf32>
    %reduce_sum3A_31 = vector.multi_reduction <add>, %mul3A_30, %reduce_sum3A [2] : vector<128x16x2048xf32> to vector<128x16xf32>
    %broadcast_in_dim3A_32 = vector.shape_cast %reduce_sum3A_31 : vector<128x16xf32> to vector<128x16x1xf32>
    %convert_element_type3A_33 = arith.truncf %mul3A_30 : vector<128x16x2048xf32> to vector<128x16x2048xbf16>
    %reshape3A_34 = vector.shape_cast %convert_element_type3A_33 : vector<128x16x2048xbf16> to vector<2048x2048xbf16>
    %dot_general3A_35 = arith.constant dense<0.000000e+00> : vector<2048x128xf32>
    %dot_general3A_36 = tpu.matmul %reshape3A_34, %get3A_23, %dot_general3A_35 {dimension_numbers = #tpu.dot_dimension_numbers<[1], [0], [0], [1], [0, 0, 1, 1], [], []>, transpose_lhs_hint = false} : vector<2048x2048xbf16>, vector<2048x128xbf16>, vector<2048x128xf32> -> vector<2048x128xf32>
    %reshape3A_37 = vector.shape_cast %broadcast_in_dim3A_32 : vector<128x16x1xf32> to vector<2048x1xf32>
    %div3A = arith.constant 1.925930e-34 : f32
    %div3A_38 = vector.broadcast %div3A : f32 to vector<2048x1xf32>
    %div3A_39 = arith.divf %div3A_38, %reshape3A_37 : vector<2048x1xf32>
    %mul3A_40 = vector.broadcast %div3A_39 : vector<2048x1xf32> to vector<2048x128xf32>
    %mul3A_41 = arith.mulf %dot_general3A_36, %mul3A_40 : vector<2048x128xf32>
    %bitcast_convert_type3A_42 = tpu.bitcast %mul3A_41 : vector<2048x128xf32> -> vector<2048x128xi32>
    %shift_right_logical3A = arith.constant 13 : i32
    %shift_right_logical3A_43 = vector.broadcast %shift_right_logical3A : i32 to vector<2048x128xi32>
    %shift_right_logical3A_44 = arith.shrui %bitcast_convert_type3A_42, %shift_right_logical3A_43 : vector<2048x128xi32>
    %and3A_45 = arith.constant 1 : i32
    %and3A_46 = vector.broadcast %and3A_45 : i32 to vector<2048x128xi32>
    %and3A_47 = arith.andi %shift_right_logical3A_44, %and3A_46 : vector<2048x128xi32>
    %add3A = arith.constant 4095 : i32
    %add3A_48 = vector.broadcast %add3A : i32 to vector<2048x128xi32>
    %add3A_49 = arith.addi %bitcast_convert_type3A_42, %add3A_48 : vector<2048x128xi32>
    %add3A_50 = arith.addi %add3A_49, %and3A_47 : vector<2048x128xi32>
    %shift_right_logical3A_51 = arith.constant 16 : i32
    %shift_right_logical3A_52 = vector.broadcast %shift_right_logical3A_51 : i32 to vector<2048x128xi32>
    %shift_right_logical3A_53 = arith.shrui %add3A_50, %shift_right_logical3A_52 : vector<2048x128xi32>
    %and3A_54 = arith.constant 32768 : i32
    %and3A_55 = vector.broadcast %and3A_54 : i32 to vector<2048x128xi32>
    %and3A_56 = arith.andi %shift_right_logical3A_53, %and3A_55 : vector<2048x128xi32>
    %shift_right_logical3A_57 = arith.constant 13 : i32
    %shift_right_logical3A_58 = vector.broadcast %shift_right_logical3A_57 : i32 to vector<2048x128xi32>
    %shift_right_logical3A_59 = arith.shrui %add3A_50, %shift_right_logical3A_58 : vector<2048x128xi32>
    %and3A_60 = arith.constant 32767 : i32
    %and3A_61 = vector.broadcast %and3A_60 : i32 to vector<2048x128xi32>
    %and3A_62 = arith.andi %shift_right_logical3A_59, %and3A_61 : vector<2048x128xi32>
    %or3A_63 = arith.ori %and3A_56, %and3A_62 : vector<2048x128xi32>
    %convert_element_type3A_64 = arith.trunci %or3A_63 : vector<2048x128xi32> to vector<2048x128xi16>
    %reshape3A_65 = vector.shape_cast %convert_element_type3A_64 : vector<2048x128xi16> to vector<128x16x128xi16>
    %swap3A = arith.constant 0 : index
    %swap3A_66 = arith.constant 0 : index
    %swap3A_67 = arith.constant 0 : index
    %swap3A_68 = arith.constant 0 : index
    %swap3A_69 = vector.load %arg6[%swap3A, %swap3A_66, %swap3A_67, %swap3A_68] : memref<1x128x16x128xi16, #tpu.memory_space<vmem>>, vector<1x128x16x128xi16>
    %swap3A_70 = vector.shape_cast %swap3A_69 : vector<1x128x16x128xi16> to vector<128x16x128xi16>
    %swap3A_71 = vector.shape_cast %reshape3A_65 : vector<128x16x128xi16> to vector<1x128x16x128xi16>
    tpu.vector_store %arg6[%swap3A, %swap3A_66, %swap3A_67, %swap3A_68], %swap3A_71 {strides = array<i32>} : memref<1x128x16x128xi16, #tpu.memory_space<vmem>>, vector<1x128x16x128xi16>,
    return
  }
  func.func @transform_0(%arg0: i32, %arg1: i32) -> (i32, i32, i32, i32) {
    %c1_i32 = arith.constant 1 : i32
    %c0_i32 = arith.constant 0 : i32
    %c0_i32_0 = arith.constant 0 : i32
    return %c1_i32, %arg1, %arg0, %c0_i32 : i32, i32, i32, i32
  }
  func.func @transform_1(%arg0: i32, %arg1: i32) -> (i32, i32) {
    %add3A = arith.constant 2 : i32
    %add3A_0 = arith.addi %add3A, %arg0 : i32
    %c0_i32 = arith.constant 0 : i32
    %c0_i32_1 = arith.constant 0 : i32
    return %add3A_0, %c0_i32 : i32, i32
  }
  func.func @transform_2(%arg0: i32, %arg1: i32) -> (i32, i32) {
    %add3A = arith.constant 2 : i32
    %add3A_0 = arith.addi %add3A, %arg0 : i32
    %c0_i32 = arith.constant 0 : i32
    %c0_i32_1 = arith.constant 0 : i32
    return %add3A_0, %c0_i32 : i32, i32
  }
  func.func @transform_3(%arg0: i32, %arg1: i32) -> (i32, i32) {
    %mul3A = arith.constant 16 : i32
    %mul3A_0 = arith.muli %arg0, %mul3A : i32
    %add3A = arith.addi %mul3A_0, %arg1 : i32
    %c0_i32 = arith.constant 0 : i32
    %c0_i32_1 = arith.constant 0 : i32
    return %add3A, %c0_i32 : i32, i32
  }
  func.func @transform_4(%arg0: i32, %arg1: i32) -> (i32, i32, i32, i32) {
    %c1_i32 = arith.constant 1 : i32
    %c0_i32 = arith.constant 0 : i32
    %c0_i32_0 = arith.constant 0 : i32
    return %c1_i32, %arg1, %arg0, %c0_i32 : i32, i32, i32, i32
  }
}

</mosaic_0001>

<sc_bundles>
// kernel: kernel.6.cloned.1.call-start
scs
__scs_entry_jumppad:
0x0: {  	(pc) =	sbr.rel $0x88, $3  }
0x1: {  	(tag) =	ssettag $0x0;
	lr =	simm.s32 $0x1  }
0x2: {  	[smem:$0x3F9D] =	sst lr;
	_ =	strace $0xD0000000  }
0x3: {  	_ = 	snop  }
0x4: {  	_ = 	snop  }
0x5: {  	_ = 	snop  }
0x6: {  	_ = 	snop  }
0x7: {  	_ = 	snop  }
__scs_overlays_trampoline_lowered:
0x8: {  	[smem:$0x3FAC] =	sst s0  }
0x9: {  	[smem:$0x3FAD] =	sst s1  }
0xa: {  	[smem:$0x3FAE] =	sst s2  }
0xb: {  	[smem:$0x3FAF] =	sst s3  }
0xc: {  	[smem:$0x3FB0] =	sst s4  }
0xd: {  	[smem:$0x3FB1] =	sst s5  }
0xe: {  	[smem:$0x3FB2] =	sst s6  }
0xf: {  	[smem:$0x3FB3] =	sst s7  }
0x10: {  	[smem:$0x3FB4] =	sst s8  }
0x11: {  	[smem:$0x3FB5] =	sst s9;
	s0 =	simm.s32 @!p0 $0x0  }
0x12: {  	s1 =	sld [smem:$0x3F9B];
	s0 =	simm.s32 @p0 $0x1  }
0x13: {  	[smem:$0x3FB6] =	sst s0;
	s0 =	simm.s32 @!p1 $0x0  }
0x14: {  	s2 =	sld [smem:$0x3F9A];
	s0 =	simm.s32 @p1 $0x1  }
0x15: {  	[smem:$0x3FB7] =	sst s0;
	s0 =	simm.s32 @!p2 $0x0  }
0x16: {  	s3 =	sld [smem:$0x3FDB];
	s0 =	simm.s32 @p2 $0x1  }
0x17: {  	s4 =	simm.s32 $0x1BF5;
	[smem:$0x3FB9] =	sst s0  }
0x18: {  	s0 =	sld [smem:$0x3F9C];
	_ =	swait.ge [sflag:s4], $0x0  }
0x19: {  	s7 =	sld [smem:$0x3F9D]  }
0x1a: {  	s8 =	sadd.s32 $0xFFFFE003, lr  }
0x1b: {  	s9 =	sadd.s32 $0xFFFFFEF7, lr;
	s5 =	simm.s32 $0xFFFFFFFF;
	p2 =	slt.u32 s8, $0xFFFFF086  }
0x1c: {  	p1 =	slt.u32 s9, $0xF7A;
	s5 =	simm.s32 @!p2 $0x0  }
0x1d: {  	s5 =	simm.s32 @p1 $0x1;
	p0 =	seq.s32 s7, s2  }
0x1e: {  	s7 =	smul.u32 @!p0 $0xF7A, s2;
	p2 =	seq.s32 @!p0 s5, $0x0  }
0x1f: {  	s9 =	smul.u32 $0xF7A, s1;
	s8 =	simm.s32 @!p0 $0x1BF5;
	p2 =	por !p2, p0  }
0x20: {  	[sflag:s8] =	ssyncset.s32 @!p0 $0xFFFFF086;
	s6 =	sadd.s32 @!p0 s3, s7;
	s7 =	simm.s32 @!p0 $0x108  }
0x21: {  	s3 =	sadd.s32 s3, s9;
	s6 =	sadd.s32 @!p0 $0x88, s6;
	s7 =	simm.s32 @p2 $0x1082  }
0x22: {  	[simem:s7], [sflag:s8] =	dma.local @!p0 [hbm:s6], $0xF7A  }
0x23: {  	s9 =	sor.u32 $0xD0000000, s2;
	s6 =	simm.s32 $0x108;
	_ =	swait.ge @!p0 [sflag:s8], $0x0  }
0x24: {  	s3 =	sadd.s32 $0x88, s3;
	s6 =	simm.s32 @!p1 $0x1082;
	[sflag:s4] =	ssyncset.s32 $0xFFFFF086  }
0x25: {  	[simem:s6], [sflag:s4] =	dma.local [hbm:s3], $0xF7A  }
0x26: {  	[smem:$0x3F9D] =	sst s1;
	(tag) =	ssettag s2;
	_ =	strace s9  }
0x27: {  	s1 =	sld [smem:$0x3FAD]  }
0x28: {  	s2 =	sld [smem:$0x3FAE]  }
0x29: {  	s4 =	sld [smem:$0x3FB0]  }
0x2a: {  	p0 =	seq.s32 s5, $0x0;
	s5 =	sld [smem:$0x3FB1]  }
0x2b: {  	s6 =	sld [smem:$0x3FB2]  }
0x2c: {  	s7 =	sld [smem:$0x3FB3]  }
0x2d: {  	s3 =	simm.s32 $0x108;
	s8 =	sld [smem:$0x3FB4]  }
0x2e: {  	s3 =	simm.s32 @!p0 $0x1082;
	s9 =	sld [smem:$0x3FB5]  }
0x2f: {  	lr =	sadd.s32 s0, s3;
	s0 =	sld [smem:$0x3FAC]  }
0x30: {  	s3 =	sld [smem:$0x3FAF]  }
0x31: {  	[smem:$0x3FB8] =	sst s10  }
0x32: {  	s10 =	sld [smem:$0x3FB6];
	_ =	sdelay $0x3  }
0x33: {  	p0 =	seq.s32 s10, $0x1;
	s10 =	sld [smem:$0x3FB8];
	_ =	sdelay $0x3  }
0x34: {  	[smem:$0x3FB8] =	sst s10  }
0x35: {  	s10 =	sld [smem:$0x3FB7];
	_ =	sdelay $0x3  }
0x36: {  	p1 =	seq.s32 s10, $0x1;
	s10 =	sld [smem:$0x3FB8];
	_ =	sdelay $0x3  }
0x37: {  	[smem:$0x3FB8] =	sst s10  }
0x38: {  	s10 =	sld [smem:$0x3FB9]  }
0x39: {  	_ = 	snop;
	(pc) =	sbr.ind lr, $3  }
0x3a: {  	_ = 	snop  }
0x3b: {  	_ = 	snop  }
0x3c: {  	p2 =	seq.s32 s10, $0x1;
	s10 =	sld [smem:$0x3FB8]  }
0x3d: {  	_ =	shalt  }
0x3e: {  	_ =	shalt  }
0x3f: {  	_ =	shalt  }
0x40: {  	_ =	shalt  }
0x41: {  	_ =	shalt  }
0x42: {  	_ =	shalt  }
0x43: {  	_ =	shalt  }
0x44: {  	_ =	shalt  }
0x45: {  	_ =	shalt  }
0x46: {  	_ =	shalt  }
0x47: {  	_ =	shalt  }
0x48: {  	_ =	shalt  }
0x49: {  	_ =	shalt  }
0x4a: {  	_ =	shalt  }
0x4b: {  	_ =	shalt  }
0x4c: {  	_ =	shalt  }
0x4d: {  	_ =	shalt  }
0x4e: {  	_ =	shalt  }
0x4f: {  	_ =	shalt  }
0x50: {  	_ =	shalt  }
0x51: {  	_ =	shalt  }
0x52: {  	_ =	shalt  }
0x53: {  	_ =	shalt  }
0x54: {  	_ =	shalt  }
0x55: {  	_ =	shalt  }
0x56: {  	_ =	shalt  }
0x57: {  	_ =	shalt  }
0x58: {  	_ =	shalt  }
0x59: {  	_ =	shalt  }
0x5a: {  	_ =	shalt  }
0x5b: {  	_ =	shalt  }
0x5c: {  	_ =	shalt  }
0x5d: {  	_ =	shalt  }
0x5e: {  	_ =	shalt  }
0x5f: {  	_ =	shalt  }
0x60: {  	_ =	shalt  }
0x61: {  	_ =	shalt  }
0x62: {  	_ =	shalt  }
0x63: {  	_ =	shalt  }
0x64: {  	_ =	shalt  }
0x65: {  	_ =	shalt  }
0x66: {  	_ =	shalt  }
0x67: {  	_ =	shalt  }
0x68: {  	_ =	shalt  }
0x69: {  	_ =	shalt  }
0x6a: {  	_ =	shalt  }
0x6b: {  	_ =	shalt  }
0x6c: {  	_ =	shalt  }
0x6d: {  	_ =	shalt  }
0x6e: {  	_ =	shalt  }
0x6f: {  	_ =	shalt  }
0x70: {  	_ =	shalt  }
0x71: {  	_ =	shalt  }
0x72: {  	_ =	shalt  }
0x73: {  	_ =	shalt  }
0x74: {  	_ =	shalt  }
0x75: {  	_ =	shalt  }
0x76: {  	_ =	shalt  }
0x77: {  	_ =	shalt  }
0x78: {  	_ =	shalt  }
0x79: {  	_ =	shalt  }
0x7a: {  	_ =	shalt  }
0x7b: {  	_ =	shalt  }
0x7c: {  	_ =	shalt  }
0x7d: {  	_ =	shalt  }
0x7e: {  	_ =	shalt  }
0x7f: {  	_ =	shalt  }
0x80: {  	_ =	shalt  }
0x81: {  	_ =	shalt  }
0x82: {  	_ =	shalt  }
0x83: {  	_ =	shalt  }
0x84: {  	_ =	shalt  }
0x85: {  	_ =	shalt  }
0x86: {  	_ =	shalt  }
0x87: {  	_ =	shalt  }
.Lfunc_end0:
.L_simem_size_0:
called_computation_lowered:
.L_overlay_start_0:
0x88: {  	s2 =	sld [smem:$0x3FD9]  }
0x89: {  	s3 =	sld [smem:$0x3FFE];
	_ =	sdelay $0x1  }
0x8a: {  	s1 =	srdreg.scid  }
0x8b: {  	s0 =	sand.u32 $0x1, s1  }
0x8c: {  	s17 =	sshll.u32 s0, $0xA;
	s2 =	sadd.s32 s3, s2  }
0x8d: {  	s2 =	sadd.s32 s2, s17  }
0x8e: {  	[smem:$0x3FC4] =	sst s2  }
0x8f: {  	_ = 	snop  }
0x90: {  	s2 =	sld [smem:$0x3FD0];
	(tm) =	ssettm $0x1  }
0x91: {  	s18 =	sld [smem:$0x3FFB];
	_ =	sdelay $0x3  }
0x92: {  	_ =	strace s18  }
0x93: {  	s3 =	sld [smem:$0x3FFC];
	_ =	sdelay $0x3  }
0x94: {  	_ =	strace s3  }
0x95: {  	s3 =	sld [smem:$0x3FFD];
	_ =	sdelay $0x3  }
0x96: {  	_ =	strace s3  }
0x97: {  	_ =	strace $0x8FFFFFFF  }
0x98: {  	s19 =	sld [smem:$0x3FDB];
	_ =	sdelay $0x1  }
0x99: {  	s4 =	simm.s32 $_scs_section_size  }
0x9a: {  	s5 =	simm.s32 $_size__tile_overlayer_lowered;
	s6 =	simm.s32 $_tile_overlayer_lowered  }
0x9b: {  	s22 =	simm.s32 $0x1BFF;
	s21 =	sshll.u32 s6, $0x1;
	s3 =	sadd.s32 s4, s19  }
0x9c: {  	s7 =	simm.s32 $0x0;
	s20 =	sshll.u32 s5, $0x1;
	s5 =	sadd.s32 s21, s3  }
0x9d: {  	[timem:s7], [sflag:s22] =	dma.local [hbm:s5], s20  }
0x9e: {  	_ =	swait.ge [sflag:s22], s20  }
0x9f: {  	s4 =	ssub.s32 $0x0, s20;
	[sflag:s22] =	ssyncset.done $0x0  }
0xa0: {  	[sflag:s22] =	ssyncadd.s32 s4;
	_ =	sdelay $0x1  }
0xa1: {  	s23 =	simm.s32 $0x1B8B  }
0xa2: {  	_ =	swait.ge [sflag:s23], $0x1  }
0xa3: {  	[sflag:s23] =	ssyncset.done $0x0  }
0xa4: {  	s25 =	simm.s32 $0x1B8E;
	s24 =	sld [smem:$0x3FFE];
	[sflag:s23] =	ssyncadd.s32 $0xFFFFFFFF  }
0xa5: {  	s26 =	simm.s32 $execute0_lowered;
	[smem:$0x3FD2] =	sst s25  }
0xa6: {  	s5 =	sshll.u32 s26, $0x1;
	_ =	strace $0x80000046;
	[dreg:$0x1] =	wrdreg $0xFFFFFFFF  }
0xa7: {  	s28 =	simm.s32 $_size_execute0_lowered;
	s3 =	sadd.s32 s3, s5;
	[dreg:$0x0] =	wrdreg $0x0  }
0xa8: {  	s5 =	sshll.u32 s28, $0x1;
	[dreg:$0x2] =	wrdreg s3  }
0xa9: {  	[dreg:$0x3] =	wrdreg s5  }
0xaa: {  	[dreg:$0x4] =	wrdreg $0xC0  }
0xab: {  	_ =	task [dreg:s7], $0x5FFFF  }
0xac: {  	[dreg:$0x1] =	wrdreg $0xFFFFFFFF  }
0xad: {  	[dreg:$0x0] =	wrdreg $0x60  }
0xae: {  	[dreg:$0x2] =	wrdreg s2  }
0xaf: {  	[dreg:$0x3] =	wrdreg s24  }
0xb0: {  	[dreg:$0x4] =	wrdreg $0x9  }
0xb1: {  	_ =	task.clear_ibuf [dreg:s7], $0x5FFFF;
	_ =	strace $0x90000046  }
0xb2: {  	s29 =	simm.s32 $0x9;
	_ =	strace $0x80000048  }
0xb3: {  	_ =	swait.ge [sflag:s29], $0x1  }
0xb4: {  	[sflag:s29] =	ssyncadd.s32 $0xFFFFFFFF  }
0xb5: {  	_ =	strace $0x90000048  }
0xb6: {  	_ =	sfence  }
0xb7: {  	s30 =	sld [smem:$0x0];
	_ =	sdelay $0x2  }
0xb8: {  	s31 =	sshll.u32 s1, $0xD;
	s1 =	sshrl.u32 s1, $0x2  }
0xb9: {  	s3 =	sand.u32 $0x4000, s31;
	s1 =	sadd.s32 s1, s30  }
0xba: {  	s0 =	sor.u32 s3, s0;
	s1 =	sshll.u32 s1, $0x11  }
0xbb: {  	s0 =	sor.u32 s1, s0  }
0xbc: {  	s0 =	sadd.s32 $0x8F2B, s0  }
0xbd: {  	[sflag:s0] =	ssyncadd.remote.s32 $0x1  }
0xbe: {  	_ =	sfence.sel $0xFFFF  }
0xbf: {  	[dreg:$0x0] =	wrdreg $0xFFFFFFFF;
	(pc) =	sbr.abs _section_cstart, $3  }
0xc0: {  	[dreg:$0x1] =	wrdreg $0xFFFFFFFF  }
0xc1: {  	_ =	task.clear_ibuf [dreg:s7], $0x2FFFF;
	_ =	strace $0x9FFFFFFF  }
0xc2: {  	(tm) =	ssettm $0x7FFFFFFF  }
0xc3: {  	_ =	shalt  }
tec
execute0_lowered:
.L_overlay_start_1:
0x0: {  	(tag) =	ssettag $0x1  }
0x1: {  	s5 =	rddreg [dreg:$0x0]  }
0x2: {  	s3 =	rddreg [dreg:$0x1]  }
0x3: {  	s0 =	rddreg [dreg:$0x2];
	s2 =	simm.s32 $0x0  }
0x4: {  	s4 =	srdreg.scid;
	s1 =	stileid.u32;
	s9 =	simm.s32 $0x4000  }
0x5: {  	s10 =	simm.s32 $0x8000;
	s11 =	simm.s32 $0xC000;
	s12 =	simm.s32 $0x10000  }
0x6: {  	s13 =	simm.s32 $0x1;
	s14 =	simm.s32 $0x2;
	s15 =	simm.s32 $0x0  }
0x7: {  	[smem:$0x7FF] =	sst s2;
	s4 =	sand.u32 $0x1, s4;
	s6 =	sshll.u32 s1, $0x1  }
0x8: {  	s3 =	sadd.s32 $0x10E00, s3;
	s7 =	ssub.s32 $0x2, s4;
	s6 =	sor.u32 s4, s6  }
0x9: {  	s8 =	sshrl.u32 s7, $0x1;
	s4 =	sshll.u32 s6, $0x6;
	s6 =	sshll.u32 s6, $0xB  }
0xa: {  	_ =	strace $0x80000047;
	s7 =	ssub.s32 s7, s8;
	s5 =	sadd.s32 s5, s6  }
0xb: {  	v0 =	vimm.f32 $0.0e+00;
	v1 =	vimm.f32 $1.000000000e+00;
	v2 =	vimm.f32 $-1.000000000e+00;
	s6 =	sor.u32 $0x800, s4;
	s8 =	simm.s32 $0x3;
	s7 =	smax.u32 s7, $0x1  }
.LBB2_1:
0xc: {  	[tilespmem:s2], [sflag:$0x3] =	stream.linear.gather [hbm4b:s5+s2], $0x4000, $0x38;
	[tilespmem:$0x14000] =	vst v63  }
0xd: {  	_ =	swait.ge [sflag:s8], $0x4000  }
0xe: {  	[sflag:s8] =	ssyncset.done $0x0  }
0xf: {  	s17 =	simm.s32 $0x0;
	s16 =	simm.s32 $0x400;
	[sflag:s8] =	ssyncadd.s32 $0xFFFFC000  }
.LBB2_2:
0x10: {  	p0 =	sne.s32 s16, $0x1FC00;
	[tilespmem:s17+$0x40F0] =	vst v0  }
0x11: {  	[tilespmem:s17+$0x4000] =	vst v0  }
0x12: {  	[tilespmem:s17+$0x4010] =	vst v0  }
0x13: {  	[tilespmem:s17+$0x4020] =	vst v0  }
0x14: {  	[tilespmem:s17+$0x4030] =	vst v0  }
0x15: {  	[tilespmem:s17+$0x4040] =	vst v0  }
0x16: {  	[tilespmem:s17+$0x4050] =	vst v0  }
0x17: {  	[tilespmem:s17+$0x4060] =	vst v0  }
0x18: {  	[tilespmem:s17+$0x4070] =	vst v0  }
0x19: {  	[tilespmem:s17+$0x4080] =	vst v0  }
0x1a: {  	[tilespmem:s17+$0x4090] =	vst v0  }
.Ltmp0:
0x1b: {  	[tilespmem:s17+$0x40A0] =	vst v0;
	(pc) =	sbr.rel @p0 .LBB2_2-.Ltmp0, $4  }
0x1c: {  	[tilespmem:s17+$0x40B0] =	vst v0  }
0x1d: {  	[tilespmem:s17+$0x40C0] =	vst v0  }
0x1e: {  	[tilespmem:s17+$0x40D0] =	vst v0  }
0x1f: {  	[tilespmem:s17+$0x40E0] =	vst v0;
	s17 =	sshra.s32 s16, $0x2;
	s16 =	sadd.s32 $0x400, s16  }
0x20: {  	[tilespmem:s17+$0x40F0] =	vst v0  }
0x21: {  	[tilespmem:s17+$0x4000] =	vst v0  }
0x22: {  	[tilespmem:s17+$0x4010] =	vst v0  }
0x23: {  	[tilespmem:s17+$0x4020] =	vst v0  }
0x24: {  	[tilespmem:s17+$0x4030] =	vst v0  }
0x25: {  	[tilespmem:s17+$0x4040] =	vst v0  }
0x26: {  	[tilespmem:s17+$0x4050] =	vst v0  }
0x27: {  	[tilespmem:s17+$0x4060] =	vst v0  }
0x28: {  	[tilespmem:s17+$0x4070] =	vst v0  }
0x29: {  	[tilespmem:s17+$0x4080] =	vst v0  }
0x2a: {  	[tilespmem:s17+$0x4090] =	vst v0  }
0x2b: {  	[tilespmem:s17+$0x40A0] =	vst v0  }
0x2c: {  	[tilespmem:s17+$0x40B0] =	vst v0  }
0x2d: {  	[tilespmem:s17+$0x40C0] =	vst v0  }
0x2e: {  	[tilespmem:s17+$0x40D0] =	vst v0  }
0x2f: {  	s16 =	simm.s32 $0x0;
	[tilespmem:s17+$0x40E0] =	vst v0;
	s17 =	simm.s32 $0x0;
	s18 =	simm.s32 $0x400  }
.LBB2_4:
0x30: {  	p0 =	sne.s32 s18, $0x1FC00;
	[tilespmem:s17+$0xC0F0] =	vst v0  }
0x31: {  	[tilespmem:s17+$0xC000] =	vst v0  }
0x32: {  	[tilespmem:s17+$0xC010] =	vst v0  }
0x33: {  	[tilespmem:s17+$0xC020] =	vst v0  }
0x34: {  	[tilespmem:s17+$0xC030] =	vst v0  }
0x35: {  	[tilespmem:s17+$0xC040] =	vst v0  }
0x36: {  	[tilespmem:s17+$0xC050] =	vst v0  }
0x37: {  	[tilespmem:s17+$0xC060] =	vst v0  }
0x38: {  	[tilespmem:s17+$0xC070] =	vst v0  }
0x39: {  	[tilespmem:s17+$0xC080] =	vst v0  }
0x3a: {  	[tilespmem:s17+$0xC090] =	vst v0  }
.Ltmp1:
0x3b: {  	[tilespmem:s17+$0xC0A0] =	vst v0;
	(pc) =	sbr.rel @p0 .LBB2_4-.Ltmp1, $4  }
0x3c: {  	[tilespmem:s17+$0xC0B0] =	vst v0  }
0x3d: {  	[tilespmem:s17+$0xC0C0] =	vst v0  }
0x3e: {  	[tilespmem:s17+$0xC0D0] =	vst v0  }
0x3f: {  	[tilespmem:s17+$0xC0E0] =	vst v0;
	s17 =	sshra.s32 s18, $0x2;
	s18 =	sadd.s32 $0x400, s18  }
0x40: {  	[tilespmem:s17+$0xC0F0] =	vst v0  }
0x41: {  	[tilespmem:s17+$0xC000] =	vst v0  }
0x42: {  	[tilespmem:s17+$0xC010] =	vst v0  }
0x43: {  	[tilespmem:s17+$0xC020] =	vst v0  }
0x44: {  	[tilespmem:s17+$0xC030] =	vst v0  }
0x45: {  	[tilespmem:s17+$0xC040] =	vst v0  }
0x46: {  	[tilespmem:s17+$0xC050] =	vst v0  }
0x47: {  	[tilespmem:s17+$0xC060] =	vst v0  }
0x48: {  	[tilespmem:s17+$0xC070] =	vst v0  }
0x49: {  	[tilespmem:s17+$0xC080] =	vst v0  }
0x4a: {  	[tilespmem:s17+$0xC090] =	vst v0  }
0x4b: {  	[tilespmem:s17+$0xC0A0] =	vst v0  }
0x4c: {  	[tilespmem:s17+$0xC0B0] =	vst v0  }
0x4d: {  	[tilespmem:s17+$0xC0C0] =	vst v0  }
0x4e: {  	[tilespmem:s17+$0xC0D0] =	vst v0  }
0x4f: {  	[tilespmem:s17+$0xC0E0] =	vst v0  }
.LBB2_6:
0x50: {  	p0 =	seq.s32 s16, $0x0  }
.Ltmp2:
0x51: {  	_ = 	snop;
	(pc) =	sbr.rel @p0 .LBB2_10-.Ltmp2, $2  }
0x52: {  	_ =	sdelay $0x2  }
0x53: {  	s17 =	simm.s32 $0x0;
	s18 =	simm.s32 $0x0  }
0x54: {  	_ =	swait.ge [sflag:s13], $0x4000  }
0x55: {  	s18 =	sshll.u32 s16, $0xE;
	[sflag:s13] =	ssyncset.done $0x0  }
0x56: {  	s20 =	simm.s32 $0x0;
	s19 =	sshrl.u32 s18, $0x2;
	[sflag:s13] =	ssyncadd.s32 $0xFFFFC000  }
0x57: {  	s21 =	sand.u32 $0x780, s20;
	s19 =	sadd.s32 $0xFFFFF000, s19;
	_ =	swait.ge [sflag:s13], $0x4000  }
0x58: {  	s22 =	sand.u32 $0x70, s20;
	s21 =	sadd.s32 s21, s19;
	[sflag:s13] =	ssyncset.done $0x0  }
0x59: {  	s21 =	sadd.s32 s22, s21;
	[sflag:s13] =	ssyncadd.s32 $0xFFFFC000  }
0x5a: {  	v3 =	vld [tilespmem:s21+$0x0];
	_ =	sdelay $0x1  }
0x5b: {  	s20 =	sand.u32 $0x8, s20  }
0x5c: {  	s20 =	sadd.s32 $0x0, s20  }
0x5d: {  	s31 =	sshll.u32 s20, $0xB  }
0x5e: {  	v3 =	vadd.s32 s31, v3;
	_ =	sdelay $0x1  }
0x5f: {  	s21 =	simm.s32 $0x10  }
0x60: {  	s20 =	simm.s32 $0x1;
	s22 =	simm.s32 $0x2;
	s23 =	sand.u32 $0x780, s21  }
.LBB2_8:
0x61: {  	p1 =	sne.s32 s22, $0x7F;
	s24 =	sand.u32 $0x70, s21;
	s23 =	sadd.s32 s23, s19  }
0x62: {  	s23 =	sadd.s32 s24, s23;
	[tilespmem:v3+s9+$0x0] =	vst.idx.add.f32.msk $0xffff, v2  }
0x63: {  	v3 =	vld [tilespmem:s23+$0x0];
	_ =	sdelay $0x1  }
0x64: {  	s24 =	sand.u32 $0x8, s20;
	s23 =	sshrl.u32 s20, $0x4;
	s20 =	smov.u32 s22  }
0x65: {  	s23 =	sadd.s32 s23, s24  }
.Ltmp3:
0x66: {  	s23 =	sshll.u32 s23, $0xB;
	(pc) =	sbr.rel @p1 .LBB2_8-.Ltmp3, $3  }
0x67: {  	v3 =	vadd.s32 s23, v3;
	_ =	sdelay $0x1  }
0x68: {  	s21 =	sadd.s32 $0x10, s21  }
0x69: {  	s22 =	sadd.s32 $0x1, s22;
	s23 =	sand.u32 $0x780, s21  }
0x6a: {  	_ =	sdelay $0x2  }
0x6b: {  	s21 =	sand.u32 $0x70, s21;
	s19 =	sadd.s32 s23, s19  }
0x6c: {  	[tilespmem:v3+s9+$0x0] =	vst.idx.add.f32.msk $0xffff, v2;
	s19 =	sadd.s32 s21, s19  }
0x6d: {  	v3 =	vld [tilespmem:s19+$0x0];
	_ =	sdelay $0x1  }
0x6e: {  	s30 =	sshrl.u32 s20, $0x4;
	s31 =	sand.u32 $0x8, s20  }
0x6f: {  	s19 =	sadd.s32 s30, s31  }
0x70: {  	s19 =	sshll.u32 s19, $0xB  }
0x71: {  	v3 =	vadd.s32 s19, v3;
	_ =	sdelay $0x4  }
0x72: {  	[tilespmem:v3+s9+$0x0] =	vst.idx.add.f32.msk $0xffff, v2  }
.LBB2_10:
0x73: {  	s18 =	sshrl.u32 s18, $0x2;
	s19 =	sand.u32 $0x780, s17  }
0x74: {  	s20 =	sand.u32 $0x70, s17;
	s19 =	sadd.s32 s19, s18  }
0x75: {  	s19 =	sadd.s32 s20, s19  }
0x76: {  	v3 =	vld [tilespmem:s19+$0x0];
	_ =	sdelay $0x1  }
0x77: {  	s30 =	sand.u32 $0x8, s17  }
0x78: {  	s31 =	sadd.s32 $0x0, s30  }
0x79: {  	s21 =	sshll.u32 s31, $0xB  }
0x7a: {  	v3 =	vadd.s32 s21, v3;
	_ =	sdelay $0x1  }
0x7b: {  	s17 =	sshll.u32 s16, $0x1;
	s20 =	simm.s32 $0x10  }
0x7c: {  	s19 =	simm.s32 $0x1;
	s22 =	sand.u32 $0x780, s20;
	s21 =	simm.s32 $0x2  }
.LBB2_11:
0x7d: {  	p1 =	sne.s32 s21, $0x7F;
	s23 =	sand.u32 $0x70, s20;
	s22 =	sadd.s32 s22, s18  }
0x7e: {  	s22 =	sadd.s32 s23, s22;
	[tilespmem:v3+s9+$0x0] =	vst.idx.add.f32.msk $0xffff, v1  }
0x7f: {  	v3 =	vld [tilespmem:s22+$0x0];
	_ =	sdelay $0x1  }
0x80: {  	s23 =	sand.u32 $0x8, s19;
	s22 =	sshrl.u32 s19, $0x4;
	s19 =	smov.u32 s21  }
0x81: {  	s22 =	sadd.s32 s22, s23  }
.Ltmp4:
0x82: {  	s22 =	sshll.u32 s22, $0xB;
	(pc) =	sbr.rel @p1 .LBB2_11-.Ltmp4, $3  }
0x83: {  	v3 =	vadd.s32 s22, v3;
	_ =	sdelay $0x1  }
0x84: {  	s20 =	sadd.s32 $0x10, s20  }
0x85: {  	s21 =	sadd.s32 $0x1, s21;
	s22 =	sand.u32 $0x780, s20  }
0x86: {  	_ =	sdelay $0x2  }
0x87: {  	s20 =	sand.u32 $0x70, s20;
	s21 =	sadd.s32 s22, s18  }
0x88: {  	[tilespmem:v3+s9+$0x0] =	vst.idx.add.f32.msk $0xffff, v1;
	s20 =	sadd.s32 s20, s21  }
0x89: {  	v3 =	vld [tilespmem:s20+$0x0];
	_ =	sdelay $0x1  }
0x8a: {  	s28 =	sshrl.u32 s19, $0x4;
	s29 =	sand.u32 $0x8, s19  }
0x8b: {  	s19 =	sadd.s32 s28, s29  }
0x8c: {  	s19 =	sshll.u32 s19, $0xB  }
0x8d: {  	v3 =	vadd.s32 s19, v3;
	_ =	sdelay $0x1  }
0x8e: {  	s30 =	sshll.u32 s16, $0x4  }
0x8f: {  	s31 =	sadd.s32 s4, s30;
	s19 =	sadd.s32 s6, s30  }
.Ltmp5:
0x90: {  	s20 =	sshll.u32 s31, $0x8;
	s19 =	sshll.u32 s19, $0x8;
	(pc) =	sbr.rel @p0 .LBB2_16-.Ltmp5, $4  }
0x91: {  	s20 =	sadd.s32 s3, s20;
	s19 =	sand.u32 $0x1FFFF000, s19;
	[tilespmem:v3+s9+$0x0] =	vst.idx.add.f32.msk $0xffff, v1  }
0x92: {  	[hbm4b:s20+s2] =	stream.linear.scatter [tilespmem:s9], [sflag:$0x1], $0x4000, $0x38;
	[tilespmem:$0x14000] =	vst v63  }
0x93: {  	s19 =	sadd.s32 s3, s19  }
0x94: {  	[hbm4b:s19+s2] =	stream.linear.scatter [tilespmem:s10], [sflag:$0x1], $0x4000, $0x38;
	[tilespmem:$0x14000] =	vst v63  }
0x95: {  	_ =	swait.ge [sflag:s14], $0x4000  }
0x96: {  	[sflag:s14] =	ssyncset.done $0x0  }
0x97: {  	s19 =	simm.s32 $0x0;
	[sflag:s14] =	ssyncadd.s32 $0xFFFFC000  }
0x98: {  	s18 =	sadd.s32 $0xFFFFF800, s18;
	s20 =	sand.u32 $0x780, s19;
	_ =	swait.ge [sflag:s14], $0x4000  }
0x99: {  	s21 =	sand.u32 $0x70, s19;
	s20 =	sadd.s32 s20, s18;
	[sflag:s14] =	ssyncset.done $0x0  }
0x9a: {  	s20 =	sadd.s32 s21, s20;
	[sflag:s14] =	ssyncadd.s32 $0xFFFFC000  }
0x9b: {  	v3 =	vld [tilespmem:s20+$0x0];
	_ =	sdelay $0x1  }
0x9c: {  	s19 =	sand.u32 $0x8, s19  }
0x9d: {  	s19 =	sadd.s32 $0x0, s19  }
0x9e: {  	s31 =	sshll.u32 s19, $0xB  }
0x9f: {  	v3 =	vadd.s32 s31, v3;
	_ =	sdelay $0x1  }
0xa0: {  	s20 =	simm.s32 $0x10  }
0xa1: {  	s19 =	simm.s32 $0x1;
	s21 =	simm.s32 $0x2;
	s22 =	sand.u32 $0x780, s20  }
.LBB2_14:
0xa2: {  	p0 =	sne.s32 s21, $0x7F;
	s23 =	sand.u32 $0x70, s20;
	s22 =	sadd.s32 s22, s18  }
0xa3: {  	s22 =	sadd.s32 s23, s22;
	[tilespmem:v3+s11+$0x0] =	vst.idx.add.f32.msk $0xffff, v2  }
0xa4: {  	v3 =	vld [tilespmem:s22+$0x0];
	_ =	sdelay $0x1  }
0xa5: {  	s23 =	sand.u32 $0x8, s19;
	s22 =	sshrl.u32 s19, $0x4;
	s19 =	smov.u32 s21  }
0xa6: {  	s22 =	sadd.s32 s22, s23  }
.Ltmp6:
0xa7: {  	s22 =	sshll.u32 s22, $0xB;
	(pc) =	sbr.rel @p0 .LBB2_14-.Ltmp6, $3  }
0xa8: {  	v3 =	vadd.s32 s22, v3;
	_ =	sdelay $0x1  }
0xa9: {  	s20 =	sadd.s32 $0x10, s20  }
0xaa: {  	s21 =	sadd.s32 $0x1, s21;
	s22 =	sand.u32 $0x780, s20  }
0xab: {  	_ =	sdelay $0x2  }
0xac: {  	s20 =	sand.u32 $0x70, s20;
	s18 =	sadd.s32 s22, s18  }
0xad: {  	[tilespmem:v3+s11+$0x0] =	vst.idx.add.f32.msk $0xffff, v2;
	s18 =	sadd.s32 s20, s18  }
0xae: {  	v3 =	vld [tilespmem:s18+$0x0];
	_ =	sdelay $0x1  }
0xaf: {  	s30 =	sshrl.u32 s19, $0x4;
	s31 =	sand.u32 $0x8, s19  }
0xb0: {  	s18 =	sadd.s32 s30, s31  }
0xb1: {  	s18 =	sshll.u32 s18, $0xB  }
0xb2: {  	v3 =	vadd.s32 s18, v3;
	_ =	sdelay $0x4  }
0xb3: {  	[tilespmem:v3+s11+$0x0] =	vst.idx.add.f32.msk $0xffff, v2  }
.LBB2_16:
0xb4: {  	s17 =	sor.u32 $0x1, s17  }
0xb5: {  	s19 =	simm.s32 $0x0;
	s18 =	sshll.u32 s17, $0xB  }
0xb6: {  	s20 =	sand.u32 $0x780, s19;
	s18 =	sand.u32 $0x3FFFF800, s18  }
0xb7: {  	s21 =	sand.u32 $0x70, s19;
	s20 =	sadd.s32 s20, s18  }
0xb8: {  	s20 =	sadd.s32 s21, s20  }
0xb9: {  	v3 =	vld [tilespmem:s20+$0x0];
	_ =	sdelay $0x1  }
0xba: {  	s19 =	sand.u32 $0x8, s19  }
0xbb: {  	s19 =	sadd.s32 $0x0, s19  }
0xbc: {  	s31 =	sshll.u32 s19, $0xB  }
0xbd: {  	v3 =	vadd.s32 s31, v3;
	_ =	sdelay $0x1  }
0xbe: {  	s20 =	simm.s32 $0x10  }
0xbf: {  	s19 =	simm.s32 $0x1;
	s21 =	simm.s32 $0x2;
	s22 =	sand.u32 $0x780, s20  }
.LBB2_17:
0xc0: {  	p0 =	sne.s32 s21, $0x7F;
	s23 =	sand.u32 $0x70, s20;
	s22 =	sadd.s32 s22, s18  }
0xc1: {  	s22 =	sadd.s32 s23, s22;
	[tilespmem:v3+s11+$0x0] =	vst.idx.add.f32.msk $0xffff, v1  }
0xc2: {  	v3 =	vld [tilespmem:s22+$0x0];
	_ =	sdelay $0x1  }
0xc3: {  	s23 =	sand.u32 $0x8, s19;
	s22 =	sshrl.u32 s19, $0x4;
	s19 =	smov.u32 s21  }
0xc4: {  	s22 =	sadd.s32 s22, s23  }
.Ltmp7:
0xc5: {  	s22 =	sshll.u32 s22, $0xB;
	(pc) =	sbr.rel @p0 .LBB2_17-.Ltmp7, $3  }
0xc6: {  	v3 =	vadd.s32 s22, v3;
	_ =	sdelay $0x1  }
0xc7: {  	s20 =	sadd.s32 $0x10, s20  }
0xc8: {  	s21 =	sadd.s32 $0x1, s21;
	s22 =	sand.u32 $0x780, s20  }
0xc9: {  	_ =	sdelay $0x2  }
0xca: {  	s20 =	sand.u32 $0x70, s20;
	s18 =	sadd.s32 s22, s18  }
0xcb: {  	[tilespmem:v3+s11+$0x0] =	vst.idx.add.f32.msk $0xffff, v1;
	s18 =	sadd.s32 s20, s18  }
0xcc: {  	v3 =	vld [tilespmem:s18+$0x0];
	_ =	sdelay $0x1  }
0xcd: {  	s29 =	sshrl.u32 s19, $0x4;
	s30 =	sand.u32 $0x8, s19  }
0xce: {  	s18 =	sadd.s32 s29, s30  }
0xcf: {  	s18 =	sshll.u32 s18, $0xB  }
0xd0: {  	v3 =	vadd.s32 s18, v3  }
0xd1: {  	s17 =	sshll.u32 s17, $0x3  }
0xd2: {  	s16 =	sadd.s32 $0x1, s16;
	s31 =	sadd.s32 s4, s17  }
0xd3: {  	s17 =	sadd.s32 s6, s17;
	p0 =	sne.s32 s16, $0x4;
	s18 =	sshll.u32 s31, $0x8  }
.Ltmp8:
0xd4: {  	s17 =	sshll.u32 s17, $0x8;
	s18 =	sand.u32 $0x1FFFF800, s18;
	(pc) =	sbr.rel @p0 .LBB2_6-.Ltmp8, $4  }
0xd5: {  	s17 =	sand.u32 $0x1FFFF800, s17;
	s18 =	sadd.s32 s3, s18;
	[tilespmem:v3+s11+$0x0] =	vst.idx.add.f32.msk $0xffff, v1  }
0xd6: {  	[hbm4b:s18+s2] =	stream.linear.scatter [tilespmem:s11], [sflag:$0x2], $0x4000, $0x38;
	[tilespmem:$0x14000] =	vst v63  }
0xd7: {  	s17 =	sadd.s32 s3, s17  }
0xd8: {  	[hbm4b:s17+s2] =	stream.linear.scatter [tilespmem:s12], [sflag:$0x2], $0x4000, $0x38;
	[tilespmem:$0x14000] =	vst v63  }
0xd9: {  	_ =	swait.ge [sflag:s13], $0x4000  }
0xda: {  	[sflag:s13] =	ssyncset.done $0x0  }
0xdb: {  	[sflag:s13] =	ssyncadd.s32 $0xFFFFC000  }
0xdc: {  	_ =	swait.ge [sflag:s13], $0x4000  }
0xdd: {  	[sflag:s13] =	ssyncset.done $0x0  }
0xde: {  	s15 =	sadd.s32 $0x1, s15;
	[sflag:s13] =	ssyncadd.s32 $0xFFFFC000  }
0xdf: {  	p0 =	sne.s32 s15, s7;
	_ =	swait.ge [sflag:s14], $0x4000  }
.Ltmp9:
0xe0: {  	[sflag:s14] =	ssyncset.done $0x0;
	(pc) =	sbr.rel @p0 .LBB2_1-.Ltmp9, $4  }
0xe1: {  	[sflag:s14] =	ssyncadd.s32 $0xFFFFC000  }
0xe2: {  	_ =	swait.ge [sflag:s14], $0x4000  }
0xe3: {  	[sflag:s14] =	ssyncset.done $0x0  }
0xe4: {  	[sflag:s14] =	ssyncadd.s32 $0xFFFFC000  }
0xe5: {  	_ =	sfence.sel $0x180000  }
0xe6: {  	[bflag:$0x0] =	sbarrier.arrive $0xFFFF  }
0xe7: {  	p0 =	sne.s32 s1, $0x0;
	_ =	strace $0x90000047  }
0xe8: {  	s0 =	sadd.s32 @!p0 $0x100000, s0;
	[bflag:$0x2] =	sbarrier.arrive $0xFFFF  }
0xe9: {  	[sflag:s0] =	ssyncadd.tile.s32 @!p0 $0x1;
	_ =	shalt  }
.Lfunc_end2:
_tile_overlayer_lowered:
.L_overlay_start_2:
0xea: {  	(tag) =	ssettag $0x2  }
0xeb: {  	s0 =	rddreg [dreg:$0x0];
	s2 =	stileid.u32  }
0xec: {  	s1 =	rddreg [dreg:$0x1];
	p0 =	sne.s32 s2, $0x0  }
0xed: {  	s3 =	rddreg [dreg:$0x2];
	[bflag:$0x3] =	sbarrier.arrive $0xFFFF;
	s2 =	simm.s32 @!p0 $0x1C03  }
0xee: {  	[timem:s3], [sflag:s2] =	dma.local @!p0 [hbm:s0], s1  }
0xef: {  	s0 =	simm.s32 @!p0 $0x3  }
0xf0: {  	_ =	swait.ge @!p0 [sflag:s0], s1  }
0xf1: {  	s1 =	ssub.s32 @!p0 $0x0, s1;
	[sflag:s0] =	ssyncset.done @!p0 $0x0  }
0xf2: {  	[sflag:s0] =	ssyncadd.s32 @!p0 s1  }
0xf3: {  	[bflag:$0x3] =	sbarrier.arrive $0xFFFF  }
0xf4: {  	_ =	shalt  }

// kernel: kernel.9.cloned.1.call-start
scs
__scs_entry_jumppad:
0x0: {  	(pc) =	sbr.rel $0x88, $3  }
0x1: {  	(tag) =	ssettag $0x0;
	lr =	simm.s32 $0x1  }
0x2: {  	[smem:$0x3F9D] =	sst lr;
	_ =	strace $0xD0000000  }
0x3: {  	_ = 	snop  }
0x4: {  	_ = 	snop  }
0x5: {  	_ = 	snop  }
0x6: {  	_ = 	snop  }
0x7: {  	_ = 	snop  }
__scs_overlays_trampoline_lowered:
0x8: {  	[smem:$0x3FAC] =	sst s0  }
0x9: {  	[smem:$0x3FAD] =	sst s1  }
0xa: {  	[smem:$0x3FAE] =	sst s2  }
0xb: {  	[smem:$0x3FAF] =	sst s3  }
0xc: {  	[smem:$0x3FB0] =	sst s4  }
0xd: {  	[smem:$0x3FB1] =	sst s5  }
0xe: {  	[smem:$0x3FB2] =	sst s6  }
0xf: {  	[smem:$0x3FB3] =	sst s7  }
0x10: {  	[smem:$0x3FB4] =	sst s8  }
0x11: {  	[smem:$0x3FB5] =	sst s9;
	s0 =	simm.s32 @!p0 $0x0  }
0x12: {  	s1 =	sld [smem:$0x3F9B];
	s0 =	simm.s32 @p0 $0x1  }
0x13: {  	[smem:$0x3FB6] =	sst s0;
	s0 =	simm.s32 @!p1 $0x0  }
0x14: {  	s2 =	sld [smem:$0x3F9A];
	s0 =	simm.s32 @p1 $0x1  }
0x15: {  	[smem:$0x3FB7] =	sst s0;
	s0 =	simm.s32 @!p2 $0x0  }
0x16: {  	s3 =	sld [smem:$0x3FDB];
	s0 =	simm.s32 @p2 $0x1  }
0x17: {  	s4 =	simm.s32 $0x1BF5;
	[smem:$0x3FB9] =	sst s0  }
0x18: {  	s0 =	sld [smem:$0x3F9C];
	_ =	swait.ge [sflag:s4], $0x0  }
0x19: {  	s7 =	sld [smem:$0x3F9D]  }
0x1a: {  	s8 =	sadd.s32 $0xFFFFE003, lr  }
0x1b: {  	s9 =	sadd.s32 $0xFFFFFEF7, lr;
	s5 =	simm.s32 $0xFFFFFFFF;
	p2 =	slt.u32 s8, $0xFFFFF086  }
0x1c: {  	p1 =	slt.u32 s9, $0xF7A;
	s5 =	simm.s32 @!p2 $0x0  }
0x1d: {  	s5 =	simm.s32 @p1 $0x1;
	p0 =	seq.s32 s7, s2  }
0x1e: {  	s7 =	smul.u32 @!p0 $0xF7A, s2;
	p2 =	seq.s32 @!p0 s5, $0x0  }
0x1f: {  	s9 =	smul.u32 $0xF7A, s1;
	s8 =	simm.s32 @!p0 $0x1BF5;
	p2 =	por !p2, p0  }
0x20: {  	[sflag:s8] =	ssyncset.s32 @!p0 $0xFFFFF086;
	s6 =	sadd.s32 @!p0 s3, s7;
	s7 =	simm.s32 @!p0 $0x108  }
0x21: {  	s3 =	sadd.s32 s3, s9;
	s6 =	sadd.s32 @!p0 $0x88, s6;
	s7 =	simm.s32 @p2 $0x1082  }
0x22: {  	[simem:s7], [sflag:s8] =	dma.local @!p0 [hbm:s6], $0xF7A  }
0x23: {  	s9 =	sor.u32 $0xD0000000, s2;
	s6 =	simm.s32 $0x108;
	_ =	swait.ge @!p0 [sflag:s8], $0x0  }
0x24: {  	s3 =	sadd.s32 $0x88, s3;
	s6 =	simm.s32 @!p1 $0x1082;
	[sflag:s4] =	ssyncset.s32 $0xFFFFF086  }
0x25: {  	[simem:s6], [sflag:s4] =	dma.local [hbm:s3], $0xF7A  }
0x26: {  	[smem:$0x3F9D] =	sst s1;
	(tag) =	ssettag s2;
	_ =	strace s9  }
0x27: {  	s1 =	sld [smem:$0x3FAD]  }
0x28: {  	s2 =	sld [smem:$0x3FAE]  }
0x29: {  	s4 =	sld [smem:$0x3FB0]  }
0x2a: {  	p0 =	seq.s32 s5, $0x0;
	s5 =	sld [smem:$0x3FB1]  }
0x2b: {  	s6 =	sld [smem:$0x3FB2]  }
0x2c: {  	s7 =	sld [smem:$0x3FB3]  }
0x2d: {  	s3 =	simm.s32 $0x108;
	s8 =	sld [smem:$0x3FB4]  }
0x2e: {  	s3 =	simm.s32 @!p0 $0x1082;
	s9 =	sld [smem:$0x3FB5]  }
0x2f: {  	lr =	sadd.s32 s0, s3;
	s0 =	sld [smem:$0x3FAC]  }
0x30: {  	s3 =	sld [smem:$0x3FAF]  }
0x31: {  	[smem:$0x3FB8] =	sst s10  }
0x32: {  	s10 =	sld [smem:$0x3FB6];
	_ =	sdelay $0x3  }
0x33: {  	p0 =	seq.s32 s10, $0x1;
	s10 =	sld [smem:$0x3FB8];
	_ =	sdelay $0x3  }
0x34: {  	[smem:$0x3FB8] =	sst s10  }
0x35: {  	s10 =	sld [smem:$0x3FB7];
	_ =	sdelay $0x3  }
0x36: {  	p1 =	seq.s32 s10, $0x1;
	s10 =	sld [smem:$0x3FB8];
	_ =	sdelay $0x3  }
0x37: {  	[smem:$0x3FB8] =	sst s10  }
0x38: {  	s10 =	sld [smem:$0x3FB9]  }
0x39: {  	_ = 	snop;
	(pc) =	sbr.ind lr, $3  }
0x3a: {  	_ = 	snop  }
0x3b: {  	_ = 	snop  }
0x3c: {  	p2 =	seq.s32 s10, $0x1;
	s10 =	sld [smem:$0x3FB8]  }
0x3d: {  	_ =	shalt  }
0x3e: {  	_ =	shalt  }
0x3f: {  	_ =	shalt  }
0x40: {  	_ =	shalt  }
0x41: {  	_ =	shalt  }
0x42: {  	_ =	shalt  }
0x43: {  	_ =	shalt  }
0x44: {  	_ =	shalt  }
0x45: {  	_ =	shalt  }
0x46: {  	_ =	shalt  }
0x47: {  	_ =	shalt  }
0x48: {  	_ =	shalt  }
0x49: {  	_ =	shalt  }
0x4a: {  	_ =	shalt  }
0x4b: {  	_ =	shalt  }
0x4c: {  	_ =	shalt  }
0x4d: {  	_ =	shalt  }
0x4e: {  	_ =	shalt  }
0x4f: {  	_ =	shalt  }
0x50: {  	_ =	shalt  }
0x51: {  	_ =	shalt  }
0x52: {  	_ =	shalt  }
0x53: {  	_ =	shalt  }
0x54: {  	_ =	shalt  }
0x55: {  	_ =	shalt  }
0x56: {  	_ =	shalt  }
0x57: {  	_ =	shalt  }
0x58: {  	_ =	shalt  }
0x59: {  	_ =	shalt  }
0x5a: {  	_ =	shalt  }
0x5b: {  	_ =	shalt  }
0x5c: {  	_ =	shalt  }
0x5d: {  	_ =	shalt  }
0x5e: {  	_ =	shalt  }
0x5f: {  	_ =	shalt  }
0x60: {  	_ =	shalt  }
0x61: {  	_ =	shalt  }
0x62: {  	_ =	shalt  }
0x63: {  	_ =	shalt  }
0x64: {  	_ =	shalt  }
0x65: {  	_ =	shalt  }
0x66: {  	_ =	shalt  }
0x67: {  	_ =	shalt  }
0x68: {  	_ =	shalt  }
0x69: {  	_ =	shalt  }
0x6a: {  	_ =	shalt  }
0x6b: {  	_ =	shalt  }
0x6c: {  	_ =	shalt  }
0x6d: {  	_ =	shalt  }
0x6e: {  	_ =	shalt  }
0x6f: {  	_ =	shalt  }
0x70: {  	_ =	shalt  }
0x71: {  	_ =	shalt  }
0x72: {  	_ =	shalt  }
0x73: {  	_ =	shalt  }
0x74: {  	_ =	shalt  }
0x75: {  	_ =	shalt  }
0x76: {  	_ =	shalt  }
0x77: {  	_ =	shalt  }
0x78: {  	_ =	shalt  }
0x79: {  	_ =	shalt  }
0x7a: {  	_ =	shalt  }
0x7b: {  	_ =	shalt  }
0x7c: {  	_ =	shalt  }
0x7d: {  	_ =	shalt  }
0x7e: {  	_ =	shalt  }
0x7f: {  	_ =	shalt  }
0x80: {  	_ =	shalt  }
0x81: {  	_ =	shalt  }
0x82: {  	_ =	shalt  }
0x83: {  	_ =	shalt  }
0x84: {  	_ =	shalt  }
0x85: {  	_ =	shalt  }
0x86: {  	_ =	shalt  }
0x87: {  	_ =	shalt  }
.Lfunc_end0:
.L_simem_size_0:
called_computation.1_lowered:
.L_overlay_start_0:
0x88: {  	s2 =	sld [smem:$0x3FD9]  }
0x89: {  	s3 =	sld [smem:$0x3FFE];
	_ =	sdelay $0x1  }
0x8a: {  	s1 =	srdreg.scid  }
0x8b: {  	s0 =	sand.u32 $0x1, s1  }
0x8c: {  	s17 =	sshll.u32 s0, $0xA;
	s2 =	sadd.s32 s3, s2  }
0x8d: {  	s2 =	sadd.s32 s2, s17  }
0x8e: {  	[smem:$0x3FC4] =	sst s2  }
0x8f: {  	_ = 	snop  }
0x90: {  	(tm) =	ssettm $0x1  }
0x91: {  	s18 =	sld [smem:$0x3FFB];
	_ =	sdelay $0x3  }
0x92: {  	_ =	strace s18  }
0x93: {  	s2 =	sld [smem:$0x3FFC];
	_ =	sdelay $0x3  }
0x94: {  	_ =	strace s2  }
0x95: {  	s2 =	sld [smem:$0x3FFD];
	_ =	sdelay $0x3  }
0x96: {  	_ =	strace s2  }
0x97: {  	_ =	strace $0x8FFFFFFF  }
0x98: {  	s19 =	sld [smem:$0x3FDB];
	_ =	sdelay $0x1  }
0x99: {  	s20 =	simm.s32 $_scs_section_size  }
0x9a: {  	s4 =	simm.s32 $_size__tile_overlayer_lowered;
	s5 =	simm.s32 $_tile_overlayer_lowered  }
0x9b: {  	s6 =	simm.s32 $0x1BFF;
	s21 =	sshll.u32 s5, $0x1;
	s3 =	sadd.s32 s20, s19  }
0x9c: {  	s22 =	simm.s32 $0x0;
	s4 =	sshll.u32 s4, $0x1;
	s5 =	sadd.s32 s21, s3  }
0x9d: {  	[timem:s22], [sflag:s6] =	dma.local [hbm:s5], s4  }
0x9e: {  	_ =	swait.ge [sflag:s6], s4  }
0x9f: {  	s4 =	ssub.s32 $0x0, s4;
	[sflag:s6] =	ssyncset.done $0x0  }
0xa0: {  	[sflag:s6] =	ssyncadd.s32 s4;
	_ =	sdelay $0x1  }
0xa1: {  	s23 =	simm.s32 $0x1B8B  }
0xa2: {  	_ =	swait.ge [sflag:s23], $0x1  }
0xa3: {  	[sflag:s23] =	ssyncset.done $0x0  }
0xa4: {  	[sflag:s23] =	ssyncadd.s32 $0xFFFFFFFF  }
0xa5: {  	s4 =	sld [smem:$0x0]  }
0xa6: {  	s5 =	sand.u32 $0xFFFFFFFE, s1  }
0xa7: {  	p0 =	sne.s32 s1, s5  }
0xa8: {  	s5 =	sshll.u32 @p0 s5, $0xE  }
0xa9: {  	s5 =	sadd.s32 @p0 $0x11B8D, s5;
	s6 =	sshll.u32 @p0 s4, $0x11  }
0xaa: {  	s5 =	sor.u32 @p0 s6, s5  }
0xab: {  	[sflag:s5] =	ssyncadd.remote.s32 @p0 $0x1;
	_ =	sdelay $0x1  }
0xac: {  	s5 =	simm.s32 @p0 $0x1B8D  }
0xad: {  	_ =	swait.eq @p0 [sflag:s5], $0x1  }
0xae: {  	[sflag:s5] =	ssyncadd.s32 @p0 $0xFFFFFFFF  }
0xaf: {  	s6 =	sshll.u32 @!p0 s1, $0xE  }
0xb0: {  	s6 =	sor.u32 @!p0 $0x4000, s6;
	s5 =	simm.s32 @!p0 $0x1B8D  }
0xb1: {  	s4 =	sshll.u32 @!p0 s4, $0x11;
	s6 =	sadd.s32 @!p0 $0x11B8D, s6;
	_ =	swait.eq @!p0 [sflag:s5], $0x1  }
0xb2: {  	s4 =	sor.u32 @!p0 s4, s6;
	[sflag:s5] =	ssyncadd.s32 @!p0 $0xFFFFFFFF  }
0xb3: {  	s25 =	simm.s32 $0x1B8E;
	s24 =	sld [smem:$0x3FFE];
	[sflag:s4] =	ssyncadd.remote.s32 @!p0 $0x1  }
0xb4: {  	s26 =	simm.s32 $execute0_lowered;
	[smem:$0x3FD2] =	sst s25  }
0xb5: {  	s5 =	sshll.u32 s26, $0x1;
	_ =	strace $0x80000049;
	[dreg:$0x1] =	wrdreg $0xFFFFFFFF  }
0xb6: {  	s28 =	simm.s32 $_size_execute0_lowered;
	s3 =	sadd.s32 s3, s5;
	[dreg:$0x0] =	wrdreg $0x0  }
0xb7: {  	s5 =	sshll.u32 s28, $0x1;
	[dreg:$0x2] =	wrdreg s3  }
0xb8: {  	[dreg:$0x3] =	wrdreg s5  }
0xb9: {  	[dreg:$0x4] =	wrdreg $0xC0  }
0xba: {  	_ =	task [dreg:s22], $0x5FFFF  }
0xbb: {  	[dreg:$0x1] =	wrdreg $0xFFFFFFFF  }
0xbc: {  	[dreg:$0x0] =	wrdreg $0x60  }
0xbd: {  	[dreg:$0x2] =	wrdreg s24  }
0xbe: {  	[dreg:$0x3] =	wrdreg $0xA  }
0xbf: {  	_ =	task.clear_ibuf [dreg:s22], $0x4FFFF;
	_ =	strace $0x90000049  }
0xc0: {  	s29 =	simm.s32 $0xA;
	_ =	strace $0x8000004B  }
0xc1: {  	_ =	swait.ge [sflag:s29], $0x1  }
0xc2: {  	[sflag:s29] =	ssyncadd.s32 $0xFFFFFFFF  }
0xc3: {  	_ =	strace $0x9000004B  }
0xc4: {  	_ =	sfence  }
0xc5: {  	s30 =	sld [smem:$0x0];
	_ =	sdelay $0x2  }
0xc6: {  	s31 =	sshll.u32 s1, $0xD;
	s1 =	sshrl.u32 s1, $0x2  }
0xc7: {  	s4 =	sand.u32 $0x4000, s31;
	s1 =	sadd.s32 s1, s30  }
0xc8: {  	s0 =	sor.u32 s4, s0;
	s1 =	sshll.u32 s1, $0x11  }
0xc9: {  	s0 =	sor.u32 s1, s0  }
0xca: {  	s0 =	sadd.s32 $0x8F2B, s0  }
0xcb: {  	[sflag:s0] =	ssyncadd.remote.s32 $0x1  }
0xcc: {  	_ =	sfence.sel $0xFFFF  }
0xcd: {  	[dreg:$0x0] =	wrdreg $0xFFFFFFFF;
	(pc) =	sbr.abs _section_cstart, $3  }
0xce: {  	[dreg:$0x1] =	wrdreg $0xFFFFFFFF  }
0xcf: {  	_ =	task.clear_ibuf [dreg:s22], $0x2FFFF;
	_ =	strace $0x9FFFFFFF  }
0xd0: {  	(tm) =	ssettm $0x7FFFFFFF  }
0xd1: {  	_ =	shalt  }
tec
execute0_lowered:
.L_overlay_start_1:
0x0: {  	(tag) =	ssettag $0x1  }
0x1: {  	s1 =	srdreg.scid  }
0x2: {  	s0 =	stileid.u32;
	s3 =	rddreg [dreg:$0x0];
	s2 =	simm.s32 $0x0  }
0x3: {  	s9 =	simm.s32 $0x4000;
	s10 =	simm.s32 $0x8000;
	s11 =	simm.s32 $0xC000  }
0x4: {  	s12 =	simm.s32 $0x10000;
	s13 =	simm.s32 $0x1;
	s14 =	simm.s32 $0x2  }
0x5: {  	s4 =	sand.u32 $0x1, s1;
	s5 =	sshll.u32 s0, $0x1;
	s1 =	rddreg [dreg:$0x1]  }
0x6: {  	s15 =	simm.s32 $0x0;
	[smem:$0x7FF] =	sst s2;
	s5 =	sor.u32 s4, s5  }
0x7: {  	_ =	strace $0x8000004A;
	s7 =	ssub.s32 $0x2, s4;
	s6 =	sshll.u32 s5, $0xB  }
0x8: {  	s8 =	sshrl.u32 s7, $0x1;
	s4 =	sshll.u32 s5, $0x6;
	s6 =	sadd.s32 s6, s3  }
0x9: {  	s3 =	sadd.s32 $0x110E00, s3;
	s7 =	ssub.s32 s7, s8;
	s8 =	simm.s32 $0x3  }
0xa: {  	v0 =	vimm.f32 $0.0e+00;
	v1 =	vimm.f32 $1.000000000e+00;
	v2 =	vimm.f32 $-1.000000000e+00;
	s5 =	sadd.s32 $0xE00, s6;
	s6 =	sor.u32 $0x800, s4;
	s7 =	smax.u32 s7, $0x1  }
.LBB2_1:
0xb: {  	[tilespmem:s2], [sflag:$0x3] =	stream.linear.gather [hbm4b:s5+s2], $0x4000, $0x38;
	[tilespmem:$0x14000] =	vst v63  }
0xc: {  	_ =	swait.ge [sflag:s8], $0x4000  }
0xd: {  	[sflag:s8] =	ssyncset.done $0x0  }
0xe: {  	s17 =	simm.s32 $0x0;
	s16 =	simm.s32 $0x400;
	[sflag:s8] =	ssyncadd.s32 $0xFFFFC000  }
.LBB2_2:
0xf: {  	p0 =	sne.s32 s16, $0x1FC00;
	[tilespmem:s17+$0x40F0] =	vst v0  }
0x10: {  	[tilespmem:s17+$0x4000] =	vst v0  }
0x11: {  	[tilespmem:s17+$0x4010] =	vst v0  }
0x12: {  	[tilespmem:s17+$0x4020] =	vst v0  }
0x13: {  	[tilespmem:s17+$0x4030] =	vst v0  }
0x14: {  	[tilespmem:s17+$0x4040] =	vst v0  }
0x15: {  	[tilespmem:s17+$0x4050] =	vst v0  }
0x16: {  	[tilespmem:s17+$0x4060] =	vst v0  }
0x17: {  	[tilespmem:s17+$0x4070] =	vst v0  }
0x18: {  	[tilespmem:s17+$0x4080] =	vst v0  }
0x19: {  	[tilespmem:s17+$0x4090] =	vst v0  }
.Ltmp0:
0x1a: {  	[tilespmem:s17+$0x40A0] =	vst v0;
	(pc) =	sbr.rel @p0 .LBB2_2-.Ltmp0, $4  }
0x1b: {  	[tilespmem:s17+$0x40B0] =	vst v0  }
0x1c: {  	[tilespmem:s17+$0x40C0] =	vst v0  }
0x1d: {  	[tilespmem:s17+$0x40D0] =	vst v0  }
0x1e: {  	[tilespmem:s17+$0x40E0] =	vst v0;
	s17 =	sshra.s32 s16, $0x2;
	s16 =	sadd.s32 $0x400, s16  }
0x1f: {  	[tilespmem:s17+$0x40F0] =	vst v0  }
0x20: {  	[tilespmem:s17+$0x4000] =	vst v0  }
0x21: {  	[tilespmem:s17+$0x4010] =	vst v0  }
0x22: {  	[tilespmem:s17+$0x4020] =	vst v0  }
0x23: {  	[tilespmem:s17+$0x4030] =	vst v0  }
0x24: {  	[tilespmem:s17+$0x4040] =	vst v0  }
0x25: {  	[tilespmem:s17+$0x4050] =	vst v0  }
0x26: {  	[tilespmem:s17+$0x4060] =	vst v0  }
0x27: {  	[tilespmem:s17+$0x4070] =	vst v0  }
0x28: {  	[tilespmem:s17+$0x4080] =	vst v0  }
0x29: {  	[tilespmem:s17+$0x4090] =	vst v0  }
0x2a: {  	[tilespmem:s17+$0x40A0] =	vst v0  }
0x2b: {  	[tilespmem:s17+$0x40B0] =	vst v0  }
0x2c: {  	[tilespmem:s17+$0x40C0] =	vst v0  }
0x2d: {  	[tilespmem:s17+$0x40D0] =	vst v0  }
0x2e: {  	s16 =	simm.s32 $0x0;
	[tilespmem:s17+$0x40E0] =	vst v0;
	s17 =	simm.s32 $0x0;
	s18 =	simm.s32 $0x400  }
.LBB2_4:
0x2f: {  	p0 =	sne.s32 s18, $0x1FC00;
	[tilespmem:s17+$0xC0F0] =	vst v0  }
0x30: {  	[tilespmem:s17+$0xC000] =	vst v0  }
0x31: {  	[tilespmem:s17+$0xC010] =	vst v0  }
0x32: {  	[tilespmem:s17+$0xC020] =	vst v0  }
0x33: {  	[tilespmem:s17+$0xC030] =	vst v0  }
0x34: {  	[tilespmem:s17+$0xC040] =	vst v0  }
0x35: {  	[tilespmem:s17+$0xC050] =	vst v0  }
0x36: {  	[tilespmem:s17+$0xC060] =	vst v0  }
0x37: {  	[tilespmem:s17+$0xC070] =	vst v0  }
0x38: {  	[tilespmem:s17+$0xC080] =	vst v0  }
0x39: {  	[tilespmem:s17+$0xC090] =	vst v0  }
.Ltmp1:
0x3a: {  	[tilespmem:s17+$0xC0A0] =	vst v0;
	(pc) =	sbr.rel @p0 .LBB2_4-.Ltmp1, $4  }
0x3b: {  	[tilespmem:s17+$0xC0B0] =	vst v0  }
0x3c: {  	[tilespmem:s17+$0xC0C0] =	vst v0  }
0x3d: {  	[tilespmem:s17+$0xC0D0] =	vst v0  }
0x3e: {  	[tilespmem:s17+$0xC0E0] =	vst v0;
	s17 =	sshra.s32 s18, $0x2;
	s18 =	sadd.s32 $0x400, s18  }
0x3f: {  	[tilespmem:s17+$0xC0F0] =	vst v0  }
0x40: {  	[tilespmem:s17+$0xC000] =	vst v0  }
0x41: {  	[tilespmem:s17+$0xC010] =	vst v0  }
0x42: {  	[tilespmem:s17+$0xC020] =	vst v0  }
0x43: {  	[tilespmem:s17+$0xC030] =	vst v0  }
0x44: {  	[tilespmem:s17+$0xC040] =	vst v0  }
0x45: {  	[tilespmem:s17+$0xC050] =	vst v0  }
0x46: {  	[tilespmem:s17+$0xC060] =	vst v0  }
0x47: {  	[tilespmem:s17+$0xC070] =	vst v0  }
0x48: {  	[tilespmem:s17+$0xC080] =	vst v0  }
0x49: {  	[tilespmem:s17+$0xC090] =	vst v0  }
0x4a: {  	[tilespmem:s17+$0xC0A0] =	vst v0  }
0x4b: {  	[tilespmem:s17+$0xC0B0] =	vst v0  }
0x4c: {  	[tilespmem:s17+$0xC0C0] =	vst v0  }
0x4d: {  	[tilespmem:s17+$0xC0D0] =	vst v0  }
0x4e: {  	[tilespmem:s17+$0xC0E0] =	vst v0  }
.LBB2_6:
0x4f: {  	p0 =	seq.s32 s16, $0x0  }
.Ltmp2:
0x50: {  	_ = 	snop;
	(pc) =	sbr.rel @p0 .LBB2_10-.Ltmp2, $2  }
0x51: {  	_ =	sdelay $0x2  }
0x52: {  	s17 =	simm.s32 $0x0;
	s18 =	simm.s32 $0x0  }
0x53: {  	_ =	swait.ge [sflag:s13], $0x4000  }
0x54: {  	s18 =	sshll.u32 s16, $0xE;
	[sflag:s13] =	ssyncset.done $0x0  }
0x55: {  	s20 =	simm.s32 $0x0;
	s19 =	sshrl.u32 s18, $0x2;
	[sflag:s13] =	ssyncadd.s32 $0xFFFFC000  }
0x56: {  	s21 =	sand.u32 $0x780, s20;
	s19 =	sadd.s32 $0xFFFFF000, s19;
	_ =	swait.ge [sflag:s13], $0x4000  }
0x57: {  	s22 =	sand.u32 $0x70, s20;
	s21 =	sadd.s32 s21, s19;
	[sflag:s13] =	ssyncset.done $0x0  }
0x58: {  	s21 =	sadd.s32 s22, s21;
	[sflag:s13] =	ssyncadd.s32 $0xFFFFC000  }
0x59: {  	v3 =	vld [tilespmem:s21+$0x0];
	_ =	sdelay $0x1  }
0x5a: {  	s20 =	sand.u32 $0x8, s20  }
0x5b: {  	s20 =	sadd.s32 $0x0, s20  }
0x5c: {  	s31 =	sshll.u32 s20, $0xB  }
0x5d: {  	v3 =	vadd.s32 s31, v3;
	_ =	sdelay $0x1  }
0x5e: {  	s21 =	simm.s32 $0x10  }
0x5f: {  	s20 =	simm.s32 $0x1;
	s22 =	simm.s32 $0x2;
	s23 =	sand.u32 $0x780, s21  }
.LBB2_8:
0x60: {  	p1 =	sne.s32 s22, $0x7F;
	s24 =	sand.u32 $0x70, s21;
	s23 =	sadd.s32 s23, s19  }
0x61: {  	s23 =	sadd.s32 s24, s23;
	[tilespmem:v3+s9+$0x0] =	vst.idx.add.f32.msk $0xffff, v2  }
0x62: {  	v3 =	vld [tilespmem:s23+$0x0];
	_ =	sdelay $0x1  }
0x63: {  	s24 =	sand.u32 $0x8, s20;
	s23 =	sshrl.u32 s20, $0x4;
	s20 =	smov.u32 s22  }
0x64: {  	s23 =	sadd.s32 s23, s24  }
.Ltmp3:
0x65: {  	s23 =	sshll.u32 s23, $0xB;
	(pc) =	sbr.rel @p1 .LBB2_8-.Ltmp3, $3  }
0x66: {  	v3 =	vadd.s32 s23, v3;
	_ =	sdelay $0x1  }
0x67: {  	s21 =	sadd.s32 $0x10, s21  }
0x68: {  	s22 =	sadd.s32 $0x1, s22;
	s23 =	sand.u32 $0x780, s21  }
0x69: {  	_ =	sdelay $0x2  }
0x6a: {  	s21 =	sand.u32 $0x70, s21;
	s19 =	sadd.s32 s23, s19  }
0x6b: {  	[tilespmem:v3+s9+$0x0] =	vst.idx.add.f32.msk $0xffff, v2;
	s19 =	sadd.s32 s21, s19  }
0x6c: {  	v3 =	vld [tilespmem:s19+$0x0];
	_ =	sdelay $0x1  }
0x6d: {  	s30 =	sshrl.u32 s20, $0x4;
	s31 =	sand.u32 $0x8, s20  }
0x6e: {  	s19 =	sadd.s32 s30, s31  }
0x6f: {  	s19 =	sshll.u32 s19, $0xB  }
0x70: {  	v3 =	vadd.s32 s19, v3;
	_ =	sdelay $0x4  }
0x71: {  	[tilespmem:v3+s9+$0x0] =	vst.idx.add.f32.msk $0xffff, v2  }
.LBB2_10:
0x72: {  	s18 =	sshrl.u32 s18, $0x2;
	s19 =	sand.u32 $0x780, s17  }
0x73: {  	s20 =	sand.u32 $0x70, s17;
	s19 =	sadd.s32 s19, s18  }
0x74: {  	s19 =	sadd.s32 s20, s19  }
0x75: {  	v3 =	vld [tilespmem:s19+$0x0];
	_ =	sdelay $0x1  }
0x76: {  	s30 =	sand.u32 $0x8, s17  }
0x77: {  	s31 =	sadd.s32 $0x0, s30  }
0x78: {  	s21 =	sshll.u32 s31, $0xB  }
0x79: {  	v3 =	vadd.s32 s21, v3;
	_ =	sdelay $0x1  }
0x7a: {  	s17 =	sshll.u32 s16, $0x1;
	s20 =	simm.s32 $0x10  }
0x7b: {  	s19 =	simm.s32 $0x1;
	s22 =	sand.u32 $0x780, s20;
	s21 =	simm.s32 $0x2  }
.LBB2_11:
0x7c: {  	p1 =	sne.s32 s21, $0x7F;
	s23 =	sand.u32 $0x70, s20;
	s22 =	sadd.s32 s22, s18  }
0x7d: {  	s22 =	sadd.s32 s23, s22;
	[tilespmem:v3+s9+$0x0] =	vst.idx.add.f32.msk $0xffff, v1  }
0x7e: {  	v3 =	vld [tilespmem:s22+$0x0];
	_ =	sdelay $0x1  }
0x7f: {  	s23 =	sand.u32 $0x8, s19;
	s22 =	sshrl.u32 s19, $0x4;
	s19 =	smov.u32 s21  }
0x80: {  	s22 =	sadd.s32 s22, s23  }
.Ltmp4:
0x81: {  	s22 =	sshll.u32 s22, $0xB;
	(pc) =	sbr.rel @p1 .LBB2_11-.Ltmp4, $3  }
0x82: {  	v3 =	vadd.s32 s22, v3;
	_ =	sdelay $0x1  }
0x83: {  	s20 =	sadd.s32 $0x10, s20  }
0x84: {  	s21 =	sadd.s32 $0x1, s21;
	s22 =	sand.u32 $0x780, s20  }
0x85: {  	_ =	sdelay $0x2  }
0x86: {  	s20 =	sand.u32 $0x70, s20;
	s21 =	sadd.s32 s22, s18  }
0x87: {  	[tilespmem:v3+s9+$0x0] =	vst.idx.add.f32.msk $0xffff, v1;
	s20 =	sadd.s32 s20, s21  }
0x88: {  	v3 =	vld [tilespmem:s20+$0x0];
	_ =	sdelay $0x1  }
0x89: {  	s28 =	sshrl.u32 s19, $0x4;
	s29 =	sand.u32 $0x8, s19  }
0x8a: {  	s19 =	sadd.s32 s28, s29  }
0x8b: {  	s19 =	sshll.u32 s19, $0xB  }
0x8c: {  	v3 =	vadd.s32 s19, v3;
	_ =	sdelay $0x1  }
0x8d: {  	s30 =	sshll.u32 s16, $0x4  }
0x8e: {  	s31 =	sadd.s32 s4, s30;
	s19 =	sadd.s32 s6, s30  }
.Ltmp5:
0x8f: {  	s20 =	sshll.u32 s31, $0x8;
	s19 =	sshll.u32 s19, $0x8;
	(pc) =	sbr.rel @p0 .LBB2_16-.Ltmp5, $4  }
0x90: {  	s20 =	sadd.s32 s3, s20;
	s19 =	sand.u32 $0x1FFFF000, s19;
	[tilespmem:v3+s9+$0x0] =	vst.idx.add.f32.msk $0xffff, v1  }
0x91: {  	[hbm4b:s20+s2] =	stream.linear.scatter [tilespmem:s9], [sflag:$0x1], $0x4000, $0x38;
	[tilespmem:$0x14000] =	vst v63  }
0x92: {  	s19 =	sadd.s32 s3, s19  }
0x93: {  	[hbm4b:s19+s2] =	stream.linear.scatter [tilespmem:s10], [sflag:$0x1], $0x4000, $0x38;
	[tilespmem:$0x14000] =	vst v63  }
0x94: {  	_ =	swait.ge [sflag:s14], $0x4000  }
0x95: {  	[sflag:s14] =	ssyncset.done $0x0  }
0x96: {  	s19 =	simm.s32 $0x0;
	[sflag:s14] =	ssyncadd.s32 $0xFFFFC000  }
0x97: {  	s18 =	sadd.s32 $0xFFFFF800, s18;
	s20 =	sand.u32 $0x780, s19;
	_ =	swait.ge [sflag:s14], $0x4000  }
0x98: {  	s21 =	sand.u32 $0x70, s19;
	s20 =	sadd.s32 s20, s18;
	[sflag:s14] =	ssyncset.done $0x0  }
0x99: {  	s20 =	sadd.s32 s21, s20;
	[sflag:s14] =	ssyncadd.s32 $0xFFFFC000  }
0x9a: {  	v3 =	vld [tilespmem:s20+$0x0];
	_ =	sdelay $0x1  }
0x9b: {  	s19 =	sand.u32 $0x8, s19  }
0x9c: {  	s19 =	sadd.s32 $0x0, s19  }
0x9d: {  	s31 =	sshll.u32 s19, $0xB  }
0x9e: {  	v3 =	vadd.s32 s31, v3;
	_ =	sdelay $0x1  }
0x9f: {  	s20 =	simm.s32 $0x10  }
0xa0: {  	s19 =	simm.s32 $0x1;
	s21 =	simm.s32 $0x2;
	s22 =	sand.u32 $0x780, s20  }
.LBB2_14:
0xa1: {  	p0 =	sne.s32 s21, $0x7F;
	s23 =	sand.u32 $0x70, s20;
	s22 =	sadd.s32 s22, s18  }
0xa2: {  	s22 =	sadd.s32 s23, s22;
	[tilespmem:v3+s11+$0x0] =	vst.idx.add.f32.msk $0xffff, v2  }
0xa3: {  	v3 =	vld [tilespmem:s22+$0x0];
	_ =	sdelay $0x1  }
0xa4: {  	s23 =	sand.u32 $0x8, s19;
	s22 =	sshrl.u32 s19, $0x4;
	s19 =	smov.u32 s21  }
0xa5: {  	s22 =	sadd.s32 s22, s23  }
.Ltmp6:
0xa6: {  	s22 =	sshll.u32 s22, $0xB;
	(pc) =	sbr.rel @p0 .LBB2_14-.Ltmp6, $3  }
0xa7: {  	v3 =	vadd.s32 s22, v3;
	_ =	sdelay $0x1  }
0xa8: {  	s20 =	sadd.s32 $0x10, s20  }
0xa9: {  	s21 =	sadd.s32 $0x1, s21;
	s22 =	sand.u32 $0x780, s20  }
0xaa: {  	_ =	sdelay $0x2  }
0xab: {  	s20 =	sand.u32 $0x70, s20;
	s18 =	sadd.s32 s22, s18  }
0xac: {  	[tilespmem:v3+s11+$0x0] =	vst.idx.add.f32.msk $0xffff, v2;
	s18 =	sadd.s32 s20, s18  }
0xad: {  	v3 =	vld [tilespmem:s18+$0x0];
	_ =	sdelay $0x1  }
0xae: {  	s30 =	sshrl.u32 s19, $0x4;
	s31 =	sand.u32 $0x8, s19  }
0xaf: {  	s18 =	sadd.s32 s30, s31  }
0xb0: {  	s18 =	sshll.u32 s18, $0xB  }
0xb1: {  	v3 =	vadd.s32 s18, v3;
	_ =	sdelay $0x4  }
0xb2: {  	[tilespmem:v3+s11+$0x0] =	vst.idx.add.f32.msk $0xffff, v2  }
.LBB2_16:
0xb3: {  	s17 =	sor.u32 $0x1, s17  }
0xb4: {  	s19 =	simm.s32 $0x0;
	s18 =	sshll.u32 s17, $0xB  }
0xb5: {  	s20 =	sand.u32 $0x780, s19;
	s18 =	sand.u32 $0x3FFFF800, s18  }
0xb6: {  	s21 =	sand.u32 $0x70, s19;
	s20 =	sadd.s32 s20, s18  }
0xb7: {  	s20 =	sadd.s32 s21, s20  }
0xb8: {  	v3 =	vld [tilespmem:s20+$0x0];
	_ =	sdelay $0x1  }
0xb9: {  	s19 =	sand.u32 $0x8, s19  }
0xba: {  	s19 =	sadd.s32 $0x0, s19  }
0xbb: {  	s31 =	sshll.u32 s19, $0xB  }
0xbc: {  	v3 =	vadd.s32 s31, v3;
	_ =	sdelay $0x1  }
0xbd: {  	s20 =	simm.s32 $0x10  }
0xbe: {  	s19 =	simm.s32 $0x1;
	s21 =	simm.s32 $0x2;
	s22 =	sand.u32 $0x780, s20  }
.LBB2_17:
0xbf: {  	p0 =	sne.s32 s21, $0x7F;
	s23 =	sand.u32 $0x70, s20;
	s22 =	sadd.s32 s22, s18  }
0xc0: {  	s22 =	sadd.s32 s23, s22;
	[tilespmem:v3+s11+$0x0] =	vst.idx.add.f32.msk $0xffff, v1  }
0xc1: {  	v3 =	vld [tilespmem:s22+$0x0];
	_ =	sdelay $0x1  }
0xc2: {  	s23 =	sand.u32 $0x8, s19;
	s22 =	sshrl.u32 s19, $0x4;
	s19 =	smov.u32 s21  }
0xc3: {  	s22 =	sadd.s32 s22, s23  }
.Ltmp7:
0xc4: {  	s22 =	sshll.u32 s22, $0xB;
	(pc) =	sbr.rel @p0 .LBB2_17-.Ltmp7, $3  }
0xc5: {  	v3 =	vadd.s32 s22, v3;
	_ =	sdelay $0x1  }
0xc6: {  	s20 =	sadd.s32 $0x10, s20  }
0xc7: {  	s21 =	sadd.s32 $0x1, s21;
	s22 =	sand.u32 $0x780, s20  }
0xc8: {  	_ =	sdelay $0x2  }
0xc9: {  	s20 =	sand.u32 $0x70, s20;
	s18 =	sadd.s32 s22, s18  }
0xca: {  	[tilespmem:v3+s11+$0x0] =	vst.idx.add.f32.msk $0xffff, v1;
	s18 =	sadd.s32 s20, s18  }
0xcb: {  	v3 =	vld [tilespmem:s18+$0x0];
	_ =	sdelay $0x1  }
0xcc: {  	s29 =	sshrl.u32 s19, $0x4;
	s30 =	sand.u32 $0x8, s19  }
0xcd: {  	s18 =	sadd.s32 s29, s30  }
0xce: {  	s18 =	sshll.u32 s18, $0xB  }
0xcf: {  	v3 =	vadd.s32 s18, v3  }
0xd0: {  	s17 =	sshll.u32 s17, $0x3  }
0xd1: {  	s16 =	sadd.s32 $0x1, s16;
	s31 =	sadd.s32 s4, s17  }
0xd2: {  	s17 =	sadd.s32 s6, s17;
	p0 =	sne.s32 s16, $0x4;
	s18 =	sshll.u32 s31, $0x8  }
.Ltmp8:
0xd3: {  	s17 =	sshll.u32 s17, $0x8;
	s18 =	sand.u32 $0x1FFFF800, s18;
	(pc) =	sbr.rel @p0 .LBB2_6-.Ltmp8, $4  }
0xd4: {  	s17 =	sand.u32 $0x1FFFF800, s17;
	s18 =	sadd.s32 s3, s18;
	[tilespmem:v3+s11+$0x0] =	vst.idx.add.f32.msk $0xffff, v1  }
0xd5: {  	[hbm4b:s18+s2] =	stream.linear.scatter [tilespmem:s11], [sflag:$0x2], $0x4000, $0x38;
	[tilespmem:$0x14000] =	vst v63  }
0xd6: {  	s17 =	sadd.s32 s3, s17  }
0xd7: {  	[hbm4b:s17+s2] =	stream.linear.scatter [tilespmem:s12], [sflag:$0x2], $0x4000, $0x38;
	[tilespmem:$0x14000] =	vst v63  }
0xd8: {  	_ =	swait.ge [sflag:s13], $0x4000  }
0xd9: {  	[sflag:s13] =	ssyncset.done $0x0  }
0xda: {  	[sflag:s13] =	ssyncadd.s32 $0xFFFFC000  }
0xdb: {  	_ =	swait.ge [sflag:s13], $0x4000  }
0xdc: {  	[sflag:s13] =	ssyncset.done $0x0  }
0xdd: {  	s15 =	sadd.s32 $0x1, s15;
	[sflag:s13] =	ssyncadd.s32 $0xFFFFC000  }
0xde: {  	p0 =	sne.s32 s15, s7;
	_ =	swait.ge [sflag:s14], $0x4000  }
.Ltmp9:
0xdf: {  	[sflag:s14] =	ssyncset.done $0x0;
	(pc) =	sbr.rel @p0 .LBB2_1-.Ltmp9, $4  }
0xe0: {  	[sflag:s14] =	ssyncadd.s32 $0xFFFFC000  }
0xe1: {  	_ =	swait.ge [sflag:s14], $0x4000  }
0xe2: {  	[sflag:s14] =	ssyncset.done $0x0  }
0xe3: {  	[sflag:s14] =	ssyncadd.s32 $0xFFFFC000  }
0xe4: {  	_ =	sfence.sel $0x180000  }
0xe5: {  	[bflag:$0x0] =	sbarrier.arrive $0xFFFF  }
0xe6: {  	p0 =	sne.s32 s0, $0x0;
	_ =	strace $0x9000004A  }
0xe7: {  	s0 =	sadd.s32 @!p0 $0x100000, s1;
	[bflag:$0x2] =	sbarrier.arrive $0xFFFF  }
0xe8: {  	[sflag:s0] =	ssyncadd.tile.s32 @!p0 $0x1;
	_ =	shalt  }
.Lfunc_end2:
_tile_overlayer_lowered:
.L_overlay_start_2:
0xe9: {  	(tag) =	ssettag $0x2  }
0xea: {  	s0 =	rddreg [dreg:$0x0];
	s2 =	stileid.u32  }
0xeb: {  	s1 =	rddreg [dreg:$0x1];
	p0 =	sne.s32 s2, $0x0  }
0xec: {  	s3 =	rddreg [dreg:$0x2];
	[bflag:$0x3] =	sbarrier.arrive $0xFFFF;
	s2 =	simm.s32 @!p0 $0x1C03  }
0xed: {  	[timem:s3], [sflag:s2] =	dma.local @!p0 [hbm:s0], s1  }
0xee: {  	s0 =	simm.s32 @!p0 $0x3  }
0xef: {  	_ =	swait.ge @!p0 [sflag:s0], s1  }
0xf0: {  	s1 =	ssub.s32 @!p0 $0x0, s1;
	[sflag:s0] =	ssyncset.done @!p0 $0x0  }
0xf1: {  	[sflag:s0] =	ssyncadd.s32 @!p0 s1  }
0xf2: {  	[bflag:$0x3] =	sbarrier.arrive $0xFFFF  }
0xf3: {  	_ =	shalt  }

</sc_bundles>
